<compile_context>
chip_gen: v7x
topology: tpu7x:2x2x1
jax: 0.10.2.dev20260603
libtpu: 0.0.44.dev20260713+nightly
codegen_flags: <defaults>
</compile_context>

<pallas_src>
import functools

import jax
import jax.numpy as jnp
from jax import lax
from jax.experimental import pallas as pl
from jax.experimental.pallas import tpu as pltpu
from jax.experimental.pallas import tpu_sc as plsc

N = 10000
D = 128
NC = 2
NS = 16
CHUNK = 128
N_TAB = 10112
ROWS_PER_TILE = N_TAB // NS
TRASH = N


def _sc_aggregate(h, src3, dst3):
  cpt = src3.shape[1]
  mesh = plsc.VectorSubcoreMesh(core_axis_name="c", subcore_axis_name="s")

  @functools.partial(
      pl.kernel,
      out_type=jax.ShapeDtypeStruct((NC, N_TAB, D), jnp.float32),
      mesh=mesh,
      scratch_types=[
          pltpu.VMEM((cpt, CHUNK), jnp.int32),
          pltpu.VMEM((cpt, CHUNK), jnp.int32),
          pltpu.VMEM((CHUNK, D), jnp.float32),
          pltpu.VMEM_SHARED((N_TAB, D), jnp.float32),
          pltpu.SemaphoreType.DMA,
      ],
  )
  def k(h_hbm, src_hbm, dst_hbm, out_hbm, src_v, dst_v, rows_a,
        agg, sem_a):
    c = lax.axis_index("c")
    s = lax.axis_index("s")
    row = s * NC + c
    pltpu.async_copy(src_hbm.at[row], src_v, sem_a)
    pltpu.async_copy(dst_hbm.at[row], dst_v, sem_a)
    z16 = jnp.zeros((16,), jnp.float32)

    @pl.loop(0, CHUNK)
    def _(i):
      for kk in range(D // 16):
        rows_a[i, pl.ds(kk * 16, 16)] = z16

    pltpu.make_async_copy(src_hbm.at[row], src_v, sem_a).wait()
    pltpu.make_async_copy(dst_hbm.at[row], dst_v, sem_a).wait()

    base = s * ROWS_PER_TILE
    for t in range(ROWS_PER_TILE // CHUNK):
      pltpu.sync_copy(rows_a, agg.at[pl.ds(base + t * CHUNK, CHUNK)])
    rem = ROWS_PER_TILE % CHUNK
    if rem:
      pltpu.sync_copy(
          rows_a.at[pl.ds(0, rem)],
          agg.at[pl.ds(base + (ROWS_PER_TILE // CHUNK) * CHUNK, rem)])
    plsc.subcore_barrier()

    @pl.loop(0, cpt)
    def _(j):
      pltpu.async_copy(h_hbm.at[src_v.at[j]], rows_a, sem_a, priority=1).wait()
      pltpu.sync_copy(rows_a, agg.at[dst_v.at[j]], add=True)

    plsc.subcore_barrier()
    pltpu.sync_copy(agg.at[pl.ds(s * ROWS_PER_TILE, ROWS_PER_TILE)],
                    out_hbm.at[c, pl.ds(s * ROWS_PER_TILE, ROWS_PER_TILE)])

  return k(h, src3, dst3)


def _mlp_body(h_ref, p0_ref, p1_ref, w1_ref, b1_ref, w2_ref, b2_ref, out_ref):
  u = (h_ref[...] + p0_ref[...].reshape(_ROW_BLK, D)
       + p1_ref[...].reshape(_ROW_BLK, D))
  t = jnp.dot(u, w1_ref[...], preferred_element_type=jnp.float32) + b1_ref[...]
  t = jax.nn.gelu(t)
  v = jnp.dot(t, w2_ref[...], preferred_element_type=jnp.float32) + b2_ref[...]
  out_ref[...] = jax.nn.gelu(v)


def _mlp_head_body(h_ref, p0_ref, p1_ref, w1_ref, b1_ref, w2_ref, b2_ref,
                   wp_ref, bp_ref, out_ref):
  u = (h_ref[...] + p0_ref[...].reshape(_ROW_BLK, D)
       + p1_ref[...].reshape(_ROW_BLK, D))
  t = jnp.dot(u, w1_ref[...], preferred_element_type=jnp.float32) + b1_ref[...]
  t = jax.nn.gelu(t)
  v = jnp.dot(t, w2_ref[...], preferred_element_type=jnp.float32) + b2_ref[...]
  g = jax.nn.gelu(v)
  out_ref[...] = (
      jnp.dot(g, wp_ref[...], preferred_element_type=jnp.float32) + bp_ref[...])


_ROW_BLK = 5000


def _row_spec():
  return pl.BlockSpec((_ROW_BLK, D), lambda i: (i, 0))


def _plane_spec(plane):
  return pl.BlockSpec((1, _ROW_BLK, D), lambda i, p=plane: (p, i, 0))


def _full_spec(shape):
  return pl.BlockSpec(shape, lambda i: tuple(0 for _ in shape))


def _tc_mlp(h, agg2, w1, b1, w2, b2):
  grid = (N // _ROW_BLK,)
  return pl.pallas_call(
      _mlp_body,
      grid=grid,
      in_specs=[_row_spec(), _plane_spec(0), _plane_spec(1),
                _full_spec((D, D)), _full_spec((1, D)),
                _full_spec((D, D)), _full_spec((1, D))],
      out_specs=_row_spec(),
      out_shape=jax.ShapeDtypeStruct((N, D), jnp.float32),
  )(h, agg2, agg2, w1, b1.reshape(1, D), w2, b2.reshape(1, D))


def _tc_mlp_head(h, agg2, w1, b1, w2, b2, wp, bp):
  grid = (N // _ROW_BLK,)
  return pl.pallas_call(
      _mlp_head_body,
      grid=grid,
      in_specs=[_row_spec(), _plane_spec(0), _plane_spec(1),
                _full_spec((D, D)), _full_spec((1, D)),
                _full_spec((D, D)), _full_spec((1, D)),
                _full_spec((D, D)), _full_spec((1, D))],
      out_specs=_row_spec(),
      out_shape=jax.ShapeDtypeStruct((N, D), jnp.float32),
  )(h, agg2, agg2, w1, b1.reshape(1, D), w2, b2.reshape(1, D), wp,
    bp.reshape(1, D))


def kernel(x, edge_index, W1a, b1a, W2a, b2a, W1b, b1b, W2b, b2b, Wp, bp):
  src = edge_index[0]
  dst = edge_index[1]
  e = src.shape[0]
  cpt = -(-e // (NC * NS * CHUNK))
  e_pad = NC * NS * cpt * CHUNK
  src_p = jnp.concatenate([src, jnp.zeros((e_pad - e,), jnp.int32)])
  pad_dst = TRASH + jnp.arange(e_pad - e, dtype=jnp.int32) % (N_TAB - N)
  dst_p = jnp.concatenate([dst, pad_dst])

  src3 = src_p.reshape(NC * NS, cpt, CHUNK)
  dst3 = dst_p.reshape(NC * NS, cpt, CHUNK)

  agg_a = _sc_aggregate(x, src3, dst3)
  h1 = _tc_mlp(x, agg_a, W1a, b1a, W2a, b2a)
  agg_b = _sc_aggregate(h1, src3, dst3)
  return _tc_mlp_head(h1, agg_b, W1b, b1b, W2b, b2b, Wp, bp)

# --- scband reference (transcript-rebuilt; emitter-appended) ---
"""Pipeline reference for scband-gin-79559974191355 (READ-ONLY COPY).

The authoritative reference and input builder live on the scoring server;
editing this copy changes nothing except your own understanding.
"""

import jax, jax.numpy as jnp
import numpy as np

N = 10000
E = 320000
D = 128
H = 128
O = 128


def setup_inputs(seed: int = 0) -> dict:
    key = jax.random.key(seed)
    ks = jax.random.split(key, 14)
    x = jax.random.normal(ks[0], (N, D), dtype=jnp.float32)
    edge_index = jax.random.randint(ks[1], (2, E), 0, N, dtype=jnp.int32)
    s_in = 1.0 / np.sqrt(D)
    s_h = 1.0 / np.sqrt(H)
    # GINConv layer 0 MLP: Linear(D,H) -> GELU -> Linear(H,H)
    W1a = jax.random.normal(ks[2], (D, H), dtype=jnp.float32) * s_in
    b1a = jnp.zeros((H,), dtype=jnp.float32)
    W2a = jax.random.normal(ks[3], (H, H), dtype=jnp.float32) * s_h
    b2a = jnp.zeros((H,), dtype=jnp.float32)
    # GINConv layer 1 MLP: Linear(H,H) -> GELU -> Linear(H,H)
    W1b = jax.random.normal(ks[4], (H, H), dtype=jnp.float32) * s_h
    b1b = jnp.zeros((H,), dtype=jnp.float32)
    W2b = jax.random.normal(ks[5], (H, H), dtype=jnp.float32) * s_h
    b2b = jnp.zeros((H,), dtype=jnp.float32)
    # prediction head Linear(H, O)
    Wp = jax.random.normal(ks[6], (H, O), dtype=jnp.float32) * s_h
    bp = jnp.zeros((O,), dtype=jnp.float32)
    return {"x": x, "edge_index": edge_index, "W1a": W1a, "b1a": b1a, "W2a": W2a, "b2a": b2a,
            "W1b": W1b, "b1b": b1b, "W2b": W2b, "b2b": b2b, "Wp": Wp, "bp": bp}


def reference(x, edge_index, W1a, b1a, W2a, b2a, W1b, b1b, W2b, b2b, Wp, bp):
    src = edge_index[0]
    dst = edge_index[1]

    def mlp(h, W1, b1, W2, b2):
        h = h @ W1 + b1
        h = jax.nn.gelu(h)
        return h @ W2 + b2

    def gin_conv(h, W1, b1, W2, b2):
        # sum-aggregate neighbor features: scatter-add messages from src to dst
        agg = jnp.zeros_like(h).at[dst].add(h[src])
        # GIN update: MLP((1 + eps) * x + agg), eps = 0 by default
        return mlp(h + agg, W1, b1, W2, b2)

    h = gin_conv(x, W1a, b1a, W2a, b2a)
    h = jax.nn.gelu(h)
    h = gin_conv(h, W1b, b1b, W2b, b2b)
    h = jax.nn.gelu(h)
    return h @ Wp + bp

if __name__ == "__main__":
    import jax
    _d = setup_inputs()
    print(jax.jit(kernel)(*tuple(_d.values())))

</pallas_src>

<mosaic_0001>
#map = affine_map<(d0, d1) -> (0, 0)>
#map1 = affine_map<(d0, d1) -> (0, 0, 0)>
module attributes {stable_mosaic.version = 14 : i64} {
  func.func @k(%arg0: i32, %arg1: i32, %arg2: memref<10000x128xf32, #tpu.memory_space<hbm>>, %arg3: memref<32x79x128xi32, #tpu.memory_space<hbm>>, %arg4: memref<32x79x128xi32, #tpu.memory_space<hbm>>, %arg5: memref<2x10112x128xf32, #tpu.memory_space<hbm>>, %arg6: memref<79x128xi32, #tpu.memory_space<vmem>>, %arg7: memref<79x128xi32, #tpu.memory_space<vmem>>, %arg8: memref<128x128xf32, #tpu.memory_space<vmem>>, %arg9: memref<10112x128xf32, #tpu.memory_space<vmem_shared>>, %arg10: memref<!tpu.dma_semaphore, #tpu.memory_space<semaphore_mem>>) attributes {dimension_semantics = [#tpu.dimension_semantics<core_parallel>, #tpu.dimension_semantics<subcore_parallel>], iteration_bounds = array<i64: 2, 16>, scalar_prefetch = 0 : i64, scratch_operands = 5 : i64, tpu.core_type = #tpu.core_type<sc_vector_subcore>, window_params = [{transform_indices = #map}, {transform_indices = #map1}, {transform_indices = #map1}, {transform_indices = #map1}]} {
    %mul3A = arith.constant 2 : i32
    %mul3A_0 = arith.muli %arg1, %mul3A : i32
    %add3A = arith.addi %mul3A_0, %arg0 : i32
    %dma_start3A = arith.constant 0 : i32
    %dma_start3A_1 = arith.constant 0 : i32
    %dma_start3A_2 = tpu.memref_slice %arg3[%add3A, %dma_start3A, %dma_start3A_1] : memref<32x79x128xi32, #tpu.memory_space<hbm>> -> memref<1x79x128xi32, #tpu.memory_space<hbm>>
    %dma_start3A_3 = tpu.memref_squeeze %dma_start3A_2 : memref<1x79x128xi32, #tpu.memory_space<hbm>> -> memref<79x128xi32, #tpu.memory_space<hbm>>
    %dma_start3A_4 = arith.constant 0 : i32
    %dma_start3A_5 = arith.constant 0 : i32
    %dma_start3A_6 = tpu.memref_slice %arg3[%add3A, %dma_start3A_4, %dma_start3A_5] : memref<32x79x128xi32, #tpu.memory_space<hbm>> -> memref<1x79x128xi32, #tpu.memory_space<hbm>>
    %dma_start3A_7 = tpu.memref_squeeze %dma_start3A_6 : memref<1x79x128xi32, #tpu.memory_space<hbm>> -> memref<79x128xi32, #tpu.memory_space<hbm>>
    tpu.enqueue_dma source(%dma_start3A_7 : memref<79x128xi32, #tpu.memory_space<hbm>>) target(%arg6 : memref<79x128xi32, #tpu.memory_space<vmem>>) target_semaphore(%arg10 : memref<!tpu.dma_semaphore, #tpu.memory_space<semaphore_mem>>)
    %dma_start3A_8 = arith.constant 0 : i32
    %dma_start3A_9 = arith.constant 0 : i32
    %dma_start3A_10 = tpu.memref_slice %arg4[%add3A, %dma_start3A_8, %dma_start3A_9] : memref<32x79x128xi32, #tpu.memory_space<hbm>> -> memref<1x79x128xi32, #tpu.memory_space<hbm>>
    %dma_start3A_11 = tpu.memref_squeeze %dma_start3A_10 : memref<1x79x128xi32, #tpu.memory_space<hbm>> -> memref<79x128xi32, #tpu.memory_space<hbm>>
    %dma_start3A_12 = arith.constant 0 : i32
    %dma_start3A_13 = arith.constant 0 : i32
    %dma_start3A_14 = tpu.memref_slice %arg4[%add3A, %dma_start3A_12, %dma_start3A_13] : memref<32x79x128xi32, #tpu.memory_space<hbm>> -> memref<1x79x128xi32, #tpu.memory_space<hbm>>
    %dma_start3A_15 = tpu.memref_squeeze %dma_start3A_14 : memref<1x79x128xi32, #tpu.memory_space<hbm>> -> memref<79x128xi32, #tpu.memory_space<hbm>>
    tpu.enqueue_dma source(%dma_start3A_15 : memref<79x128xi32, #tpu.memory_space<hbm>>) target(%arg7 : memref<79x128xi32, #tpu.memory_space<vmem>>) target_semaphore(%arg10 : memref<!tpu.dma_semaphore, #tpu.memory_space<semaphore_mem>>)
    %broadcast_in_dim3A = arith.constant 0.000000e+00 : f32
    %broadcast_in_dim3A_16 = vector.broadcast %broadcast_in_dim3A : f32 to vector<16xf32>
    %scan3A = arith.constant 0 : i32
    %scan3A_17 = arith.constant 128 : i32
    %scan3A_18 = arith.addi %scan3A, %scan3A_17 : i32
    %scan3A_19 = arith.constant 1 : i32
    scf.for %scan3A_58 = %scan3A to %scan3A_18 step %scan3A_19  : i32 {
      %mul3A_59 = arith.constant 1 : i32
      %mul3A_60 = arith.muli %scan3A_58, %mul3A_59 : i32
      %add3A_61 = arith.constant 0 : i32
      %add3A_62 = arith.addi %add3A_61, %mul3A_60 : i32
      %swap3A = arith.index_cast %add3A_62 : i32 to index
      %swap3A_63 = arith.constant 0 : index
      %swap3A_64 = tpu.vector_load %arg8[%swap3A, %swap3A_63] {strides = array<i32>} : memref<128x128xf32, #tpu.memory_space<vmem>>, vector<1x16xf32>,
      %swap3A_65 = vector.shape_cast %swap3A_64 : vector<1x16xf32> to vector<16xf32>
      %swap3A_66 = vector.shape_cast %broadcast_in_dim3A_16 : vector<16xf32> to vector<1x16xf32>
      tpu.vector_store %arg8[%swap3A, %swap3A_63], %swap3A_66 {strides = array<i32>} : memref<128x128xf32, #tpu.memory_space<vmem>>, vector<1x16xf32>,
      %swap3A_67 = arith.index_cast %add3A_62 : i32 to index
      %swap3A_68 = arith.constant 16 : index
      %swap3A_69 = tpu.vector_load %arg8[%swap3A_67, %swap3A_68] {strides = array<i32>} : memref<128x128xf32, #tpu.memory_space<vmem>>, vector<1x16xf32>,
      %swap3A_70 = vector.shape_cast %swap3A_69 : vector<1x16xf32> to vector<16xf32>
      %swap3A_71 = vector.shape_cast %broadcast_in_dim3A_16 : vector<16xf32> to vector<1x16xf32>
      tpu.vector_store %arg8[%swap3A_67, %swap3A_68], %swap3A_71 {strides = array<i32>} : memref<128x128xf32, #tpu.memory_space<vmem>>, vector<1x16xf32>,
      %swap3A_72 = arith.index_cast %add3A_62 : i32 to index
      %swap3A_73 = arith.constant 32 : index
      %swap3A_74 = tpu.vector_load %arg8[%swap3A_72, %swap3A_73] {strides = array<i32>} : memref<128x128xf32, #tpu.memory_space<vmem>>, vector<1x16xf32>,
      %swap3A_75 = vector.shape_cast %swap3A_74 : vector<1x16xf32> to vector<16xf32>
      %swap3A_76 = vector.shape_cast %broadcast_in_dim3A_16 : vector<16xf32> to vector<1x16xf32>
      tpu.vector_store %arg8[%swap3A_72, %swap3A_73], %swap3A_76 {strides = array<i32>} : memref<128x128xf32, #tpu.memory_space<vmem>>, vector<1x16xf32>,
      %swap3A_77 = arith.index_cast %add3A_62 : i32 to index
      %swap3A_78 = arith.constant 48 : index
      %swap3A_79 = tpu.vector_load %arg8[%swap3A_77, %swap3A_78] {strides = array<i32>} : memref<128x128xf32, #tpu.memory_space<vmem>>, vector<1x16xf32>,
      %swap3A_80 = vector.shape_cast %swap3A_79 : vector<1x16xf32> to vector<16xf32>
      %swap3A_81 = vector.shape_cast %broadcast_in_dim3A_16 : vector<16xf32> to vector<1x16xf32>
      tpu.vector_store %arg8[%swap3A_77, %swap3A_78], %swap3A_81 {strides = array<i32>} : memref<128x128xf32, #tpu.memory_space<vmem>>, vector<1x16xf32>,
      %swap3A_82 = arith.index_cast %add3A_62 : i32 to index
      %swap3A_83 = arith.constant 64 : index
      %swap3A_84 = tpu.vector_load %arg8[%swap3A_82, %swap3A_83] {strides = array<i32>} : memref<128x128xf32, #tpu.memory_space<vmem>>, vector<1x16xf32>,
      %swap3A_85 = vector.shape_cast %swap3A_84 : vector<1x16xf32> to vector<16xf32>
      %swap3A_86 = vector.shape_cast %broadcast_in_dim3A_16 : vector<16xf32> to vector<1x16xf32>
      tpu.vector_store %arg8[%swap3A_82, %swap3A_83], %swap3A_86 {strides = array<i32>} : memref<128x128xf32, #tpu.memory_space<vmem>>, vector<1x16xf32>,
      %swap3A_87 = arith.index_cast %add3A_62 : i32 to index
      %swap3A_88 = arith.constant 80 : index
      %swap3A_89 = tpu.vector_load %arg8[%swap3A_87, %swap3A_88] {strides = array<i32>} : memref<128x128xf32, #tpu.memory_space<vmem>>, vector<1x16xf32>,
      %swap3A_90 = vector.shape_cast %swap3A_89 : vector<1x16xf32> to vector<16xf32>
      %swap3A_91 = vector.shape_cast %broadcast_in_dim3A_16 : vector<16xf32> to vector<1x16xf32>
      tpu.vector_store %arg8[%swap3A_87, %swap3A_88], %swap3A_91 {strides = array<i32>} : memref<128x128xf32, #tpu.memory_space<vmem>>, vector<1x16xf32>,
      %swap3A_92 = arith.index_cast %add3A_62 : i32 to index
      %swap3A_93 = arith.constant 96 : index
      %swap3A_94 = tpu.vector_load %arg8[%swap3A_92, %swap3A_93] {strides = array<i32>} : memref<128x128xf32, #tpu.memory_space<vmem>>, vector<1x16xf32>,
      %swap3A_95 = vector.shape_cast %swap3A_94 : vector<1x16xf32> to vector<16xf32>
      %swap3A_96 = vector.shape_cast %broadcast_in_dim3A_16 : vector<16xf32> to vector<1x16xf32>
      tpu.vector_store %arg8[%swap3A_92, %swap3A_93], %swap3A_96 {strides = array<i32>} : memref<128x128xf32, #tpu.memory_space<vmem>>, vector<1x16xf32>,
      %swap3A_97 = arith.index_cast %add3A_62 : i32 to index
      %swap3A_98 = arith.constant 112 : index
      %swap3A_99 = tpu.vector_load %arg8[%swap3A_97, %swap3A_98] {strides = array<i32>} : memref<128x128xf32, #tpu.memory_space<vmem>>, vector<1x16xf32>,
      %swap3A_100 = vector.shape_cast %swap3A_99 : vector<1x16xf32> to vector<16xf32>
      %swap3A_101 = vector.shape_cast %broadcast_in_dim3A_16 : vector<16xf32> to vector<1x16xf32>
      tpu.vector_store %arg8[%swap3A_97, %swap3A_98], %swap3A_101 {strides = array<i32>} : memref<128x128xf32, #tpu.memory_space<vmem>>, vector<1x16xf32>,
    }
    %scan3A_20 = arith.constant 128 : i32
    %dma_wait3A = arith.constant 0 : i32
    %dma_wait3A_21 = arith.constant 0 : i32
    %dma_wait3A_22 = tpu.memref_slice %arg3[%add3A, %dma_wait3A, %dma_wait3A_21] : memref<32x79x128xi32, #tpu.memory_space<hbm>> -> memref<1x79x128xi32, #tpu.memory_space<hbm>>
    %dma_wait3A_23 = tpu.memref_squeeze %dma_wait3A_22 : memref<1x79x128xi32, #tpu.memory_space<hbm>> -> memref<79x128xi32, #tpu.memory_space<hbm>>
    %dma_wait3A_24 = arith.constant 0 : i32
    %dma_wait3A_25 = arith.constant 0 : i32
    %dma_wait3A_26 = tpu.memref_slice %arg3[%add3A, %dma_wait3A_24, %dma_wait3A_25] : memref<32x79x128xi32, #tpu.memory_space<hbm>> -> memref<1x79x128xi32, #tpu.memory_space<hbm>>
    %dma_wait3A_27 = tpu.memref_squeeze %dma_wait3A_26 : memref<1x79x128xi32, #tpu.memory_space<hbm>> -> memref<79x128xi32, #tpu.memory_space<hbm>>
    tpu.wait_dma2 semaphore(%arg10 : memref<!tpu.dma_semaphore, #tpu.memory_space<semaphore_mem>>) src(%dma_wait3A_27 : memref<79x128xi32, #tpu.memory_space<hbm>>) dst(%arg6 : memref<79x128xi32, #tpu.memory_space<vmem>>)
    %dma_wait3A_28 = arith.constant 0 : i32
    %dma_wait3A_29 = arith.constant 0 : i32
    %dma_wait3A_30 = tpu.memref_slice %arg4[%add3A, %dma_wait3A_28, %dma_wait3A_29] : memref<32x79x128xi32, #tpu.memory_space<hbm>> -> memref<1x79x128xi32, #tpu.memory_space<hbm>>
    %dma_wait3A_31 = tpu.memref_squeeze %dma_wait3A_30 : memref<1x79x128xi32, #tpu.memory_space<hbm>> -> memref<79x128xi32, #tpu.memory_space<hbm>>
    %dma_wait3A_32 = arith.constant 0 : i32
    %dma_wait3A_33 = arith.constant 0 : i32
    %dma_wait3A_34 = tpu.memref_slice %arg4[%add3A, %dma_wait3A_32, %dma_wait3A_33] : memref<32x79x128xi32, #tpu.memory_space<hbm>> -> memref<1x79x128xi32, #tpu.memory_space<hbm>>
    %dma_wait3A_35 = tpu.memref_squeeze %dma_wait3A_34 : memref<1x79x128xi32, #tpu.memory_space<hbm>> -> memref<79x128xi32, #tpu.memory_space<hbm>>
    tpu.wait_dma2 semaphore(%arg10 : memref<!tpu.dma_semaphore, #tpu.memory_space<semaphore_mem>>) src(%dma_wait3A_35 : memref<79x128xi32, #tpu.memory_space<hbm>>) dst(%arg7 : memref<79x128xi32, #tpu.memory_space<vmem>>)
    %mul3A_36 = arith.constant 632 : i32
    %mul3A_37 = arith.muli %arg1, %mul3A_36 : i32
    %add3A_38 = arith.constant 0 : i32
    %add3A_39 = arith.addi %mul3A_37, %add3A_38 : i32
    "tpu.region"() ({
      %run_scoped3A = tpu.sem_alloc : memref<!tpu.dma_semaphore, #tpu.memory_space<semaphore_mem>>
      %dma_start3A_58 = arith.constant 0 : i32
      %dma_start3A_59 = tpu.memref_slice %arg9[%add3A_39, %dma_start3A_58] : memref<10112x128xf32, #tpu.memory_space<vmem_shared>> -> memref<128x128xf32, #tpu.memory_space<vmem_shared>>
      %dma_start3A_60 = arith.constant 0 : i32
      %dma_start3A_61 = tpu.memref_slice %arg9[%add3A_39, %dma_start3A_60] : memref<10112x128xf32, #tpu.memory_space<vmem_shared>> -> memref<128x128xf32, #tpu.memory_space<vmem_shared>>
      tpu.enqueue_dma source(%arg8 : memref<128x128xf32, #tpu.memory_space<vmem>>) target(%dma_start3A_61 : memref<128x128xf32, #tpu.memory_space<vmem_shared>>) target_semaphore(%run_scoped3A : memref<!tpu.dma_semaphore, #tpu.memory_space<semaphore_mem>>)
      %dma_wait3A_62 = arith.constant 0 : i32
      %dma_wait3A_63 = tpu.memref_slice %arg9[%add3A_39, %dma_wait3A_62] : memref<10112x128xf32, #tpu.memory_space<vmem_shared>> -> memref<128x128xf32, #tpu.memory_space<vmem_shared>>
      %dma_wait3A_64 = arith.constant 0 : i32
      %dma_wait3A_65 = tpu.memref_slice %arg9[%add3A_39, %dma_wait3A_64] : memref<10112x128xf32, #tpu.memory_space<vmem_shared>> -> memref<128x128xf32, #tpu.memory_space<vmem_shared>>
      tpu.wait_dma2 semaphore(%run_scoped3A : memref<!tpu.dma_semaphore, #tpu.memory_space<semaphore_mem>>) src(%arg8 : memref<128x128xf32, #tpu.memory_space<vmem>>) dst(%dma_wait3A_65 : memref<128x128xf32, #tpu.memory_space<vmem_shared>>)
      tpu.yield
    }) : () -> ()
    %add3A_40 = arith.constant 128 : i32
    %add3A_41 = arith.addi %mul3A_37, %add3A_40 : i32
    "tpu.region"() ({
      %run_scoped3A = tpu.sem_alloc : memref<!tpu.dma_semaphore, #tpu.memory_space<semaphore_mem>>
      %dma_start3A_58 = arith.constant 0 : i32
      %dma_start3A_59 = tpu.memref_slice %arg9[%add3A_41, %dma_start3A_58] : memref<10112x128xf32, #tpu.memory_space<vmem_shared>> -> memref<128x128xf32, #tpu.memory_space<vmem_shared>>
      %dma_start3A_60 = arith.constant 0 : i32
      %dma_start3A_61 = tpu.memref_slice %arg9[%add3A_41, %dma_start3A_60] : memref<10112x128xf32, #tpu.memory_space<vmem_shared>> -> memref<128x128xf32, #tpu.memory_space<vmem_shared>>
      tpu.enqueue_dma source(%arg8 : memref<128x128xf32, #tpu.memory_space<vmem>>) target(%dma_start3A_61 : memref<128x128xf32, #tpu.memory_space<vmem_shared>>) target_semaphore(%run_scoped3A : memref<!tpu.dma_semaphore, #tpu.memory_space<semaphore_mem>>)
      %dma_wait3A_62 = arith.constant 0 : i32
      %dma_wait3A_63 = tpu.memref_slice %arg9[%add3A_41, %dma_wait3A_62] : memref<10112x128xf32, #tpu.memory_space<vmem_shared>> -> memref<128x128xf32, #tpu.memory_space<vmem_shared>>
      %dma_wait3A_64 = arith.constant 0 : i32
      %dma_wait3A_65 = tpu.memref_slice %arg9[%add3A_41, %dma_wait3A_64] : memref<10112x128xf32, #tpu.memory_space<vmem_shared>> -> memref<128x128xf32, #tpu.memory_space<vmem_shared>>
      tpu.wait_dma2 semaphore(%run_scoped3A : memref<!tpu.dma_semaphore, #tpu.memory_space<semaphore_mem>>) src(%arg8 : memref<128x128xf32, #tpu.memory_space<vmem>>) dst(%dma_wait3A_65 : memref<128x128xf32, #tpu.memory_space<vmem_shared>>)
      tpu.yield
    }) : () -> ()
    %add3A_42 = arith.constant 256 : i32
    %add3A_43 = arith.addi %mul3A_37, %add3A_42 : i32
    "tpu.region"() ({
      %run_scoped3A = tpu.sem_alloc : memref<!tpu.dma_semaphore, #tpu.memory_space<semaphore_mem>>
      %dma_start3A_58 = arith.constant 0 : i32
      %dma_start3A_59 = tpu.memref_slice %arg9[%add3A_43, %dma_start3A_58] : memref<10112x128xf32, #tpu.memory_space<vmem_shared>> -> memref<128x128xf32, #tpu.memory_space<vmem_shared>>
      %dma_start3A_60 = arith.constant 0 : i32
      %dma_start3A_61 = tpu.memref_slice %arg9[%add3A_43, %dma_start3A_60] : memref<10112x128xf32, #tpu.memory_space<vmem_shared>> -> memref<128x128xf32, #tpu.memory_space<vmem_shared>>
      tpu.enqueue_dma source(%arg8 : memref<128x128xf32, #tpu.memory_space<vmem>>) target(%dma_start3A_61 : memref<128x128xf32, #tpu.memory_space<vmem_shared>>) target_semaphore(%run_scoped3A : memref<!tpu.dma_semaphore, #tpu.memory_space<semaphore_mem>>)
      %dma_wait3A_62 = arith.constant 0 : i32
      %dma_wait3A_63 = tpu.memref_slice %arg9[%add3A_43, %dma_wait3A_62] : memref<10112x128xf32, #tpu.memory_space<vmem_shared>> -> memref<128x128xf32, #tpu.memory_space<vmem_shared>>
      %dma_wait3A_64 = arith.constant 0 : i32
      %dma_wait3A_65 = tpu.memref_slice %arg9[%add3A_43, %dma_wait3A_64] : memref<10112x128xf32, #tpu.memory_space<vmem_shared>> -> memref<128x128xf32, #tpu.memory_space<vmem_shared>>
      tpu.wait_dma2 semaphore(%run_scoped3A : memref<!tpu.dma_semaphore, #tpu.memory_space<semaphore_mem>>) src(%arg8 : memref<128x128xf32, #tpu.memory_space<vmem>>) dst(%dma_wait3A_65 : memref<128x128xf32, #tpu.memory_space<vmem_shared>>)
      tpu.yield
    }) : () -> ()
    %add3A_44 = arith.constant 384 : i32
    %add3A_45 = arith.addi %mul3A_37, %add3A_44 : i32
    "tpu.region"() ({
      %run_scoped3A = tpu.sem_alloc : memref<!tpu.dma_semaphore, #tpu.memory_space<semaphore_mem>>
      %dma_start3A_58 = arith.constant 0 : i32
      %dma_start3A_59 = tpu.memref_slice %arg9[%add3A_45, %dma_start3A_58] : memref<10112x128xf32, #tpu.memory_space<vmem_shared>> -> memref<128x128xf32, #tpu.memory_space<vmem_shared>>
      %dma_start3A_60 = arith.constant 0 : i32
      %dma_start3A_61 = tpu.memref_slice %arg9[%add3A_45, %dma_start3A_60] : memref<10112x128xf32, #tpu.memory_space<vmem_shared>> -> memref<128x128xf32, #tpu.memory_space<vmem_shared>>
      tpu.enqueue_dma source(%arg8 : memref<128x128xf32, #tpu.memory_space<vmem>>) target(%dma_start3A_61 : memref<128x128xf32, #tpu.memory_space<vmem_shared>>) target_semaphore(%run_scoped3A : memref<!tpu.dma_semaphore, #tpu.memory_space<semaphore_mem>>)
      %dma_wait3A_62 = arith.constant 0 : i32
      %dma_wait3A_63 = tpu.memref_slice %arg9[%add3A_45, %dma_wait3A_62] : memref<10112x128xf32, #tpu.memory_space<vmem_shared>> -> memref<128x128xf32, #tpu.memory_space<vmem_shared>>
      %dma_wait3A_64 = arith.constant 0 : i32
      %dma_wait3A_65 = tpu.memref_slice %arg9[%add3A_45, %dma_wait3A_64] : memref<10112x128xf32, #tpu.memory_space<vmem_shared>> -> memref<128x128xf32, #tpu.memory_space<vmem_shared>>
      tpu.wait_dma2 semaphore(%run_scoped3A : memref<!tpu.dma_semaphore, #tpu.memory_space<semaphore_mem>>) src(%arg8 : memref<128x128xf32, #tpu.memory_space<vmem>>) dst(%dma_wait3A_65 : memref<128x128xf32, #tpu.memory_space<vmem_shared>>)
      tpu.yield
    }) : () -> ()
    %add3A_46 = arith.constant 512 : i32
    %add3A_47 = arith.addi %mul3A_37, %add3A_46 : i32
    "tpu.region"() ({
      %run_scoped3A = tpu.sem_alloc : memref<!tpu.dma_semaphore, #tpu.memory_space<semaphore_mem>>
      %dma_start3A_58 = arith.constant 0 : i32
      %dma_start3A_59 = arith.constant 0 : i32
      %dma_start3A_60 = tpu.memref_slice %arg8[%dma_start3A_58, %dma_start3A_59] : memref<128x128xf32, #tpu.memory_space<vmem>> -> memref<120x128xf32, #tpu.memory_space<vmem>>
      %dma_start3A_61 = arith.constant 0 : i32
      %dma_start3A_62 = tpu.memref_slice %arg9[%add3A_47, %dma_start3A_61] : memref<10112x128xf32, #tpu.memory_space<vmem_shared>> -> memref<120x128xf32, #tpu.memory_space<vmem_shared>>
      %dma_start3A_63 = arith.constant 0 : i32
      %dma_start3A_64 = tpu.memref_slice %arg9[%add3A_47, %dma_start3A_63] : memref<10112x128xf32, #tpu.memory_space<vmem_shared>> -> memref<120x128xf32, #tpu.memory_space<vmem_shared>>
      %dma_start3A_65 = arith.constant 0 : i32
      %dma_start3A_66 = arith.constant 0 : i32
      %dma_start3A_67 = tpu.memref_slice %arg8[%dma_start3A_65, %dma_start3A_66] : memref<128x128xf32, #tpu.memory_space<vmem>> -> memref<120x128xf32, #tpu.memory_space<vmem>>
      tpu.enqueue_dma source(%dma_start3A_67 : memref<120x128xf32, #tpu.memory_space<vmem>>) target(%dma_start3A_64 : memref<120x128xf32, #tpu.memory_space<vmem_shared>>) target_semaphore(%run_scoped3A : memref<!tpu.dma_semaphore, #tpu.memory_space<semaphore_mem>>)
      %dma_wait3A_68 = arith.constant 0 : i32
      %dma_wait3A_69 = arith.constant 0 : i32
      %dma_wait3A_70 = tpu.memref_slice %arg8[%dma_wait3A_68, %dma_wait3A_69] : memref<128x128xf32, #tpu.memory_space<vmem>> -> memref<120x128xf32, #tpu.memory_space<vmem>>
      %dma_wait3A_71 = arith.constant 0 : i32
      %dma_wait3A_72 = tpu.memref_slice %arg9[%add3A_47, %dma_wait3A_71] : memref<10112x128xf32, #tpu.memory_space<vmem_shared>> -> memref<120x128xf32, #tpu.memory_space<vmem_shared>>
      %dma_wait3A_73 = arith.constant 0 : i32
      %dma_wait3A_74 = tpu.memref_slice %arg9[%add3A_47, %dma_wait3A_73] : memref<10112x128xf32, #tpu.memory_space<vmem_shared>> -> memref<120x128xf32, #tpu.memory_space<vmem_shared>>
      %dma_wait3A_75 = arith.constant 0 : i32
      %dma_wait3A_76 = arith.constant 0 : i32
      %dma_wait3A_77 = tpu.memref_slice %arg8[%dma_wait3A_75, %dma_wait3A_76] : memref<128x128xf32, #tpu.memory_space<vmem>> -> memref<120x128xf32, #tpu.memory_space<vmem>>
      tpu.wait_dma2 semaphore(%run_scoped3A : memref<!tpu.dma_semaphore, #tpu.memory_space<semaphore_mem>>) src(%dma_wait3A_77 : memref<120x128xf32, #tpu.memory_space<vmem>>) dst(%dma_wait3A_74 : memref<120x128xf32, #tpu.memory_space<vmem_shared>>)
      tpu.yield
    }) : () -> ()
    %barrier3A = arith.constant 0 : index
    tpu.barrier barrier_id(%barrier3A)
    %scan3A_48 = arith.constant 0 : i32
    %scan3A_49 = arith.constant 79 : i32
    %scan3A_50 = arith.addi %scan3A_48, %scan3A_49 : i32
    %scan3A_51 = arith.constant 1 : i32
    scf.for %scan3A_58 = %scan3A_48 to %scan3A_50 step %scan3A_51  : i32 {
      %mul3A_59 = arith.constant 1 : i32
      %mul3A_60 = arith.muli %scan3A_58, %mul3A_59 : i32
      %add3A_61 = arith.constant 0 : i32
      %add3A_62 = arith.addi %add3A_61, %mul3A_60 : i32
      %dma_start3A_63 = arith.constant 0 : i32
      %dma_start3A_64 = tpu.memref_slice %arg6[%add3A_62, %dma_start3A_63] : memref<79x128xi32, #tpu.memory_space<vmem>> -> memref<1x128xi32, #tpu.memory_space<vmem>>
      %dma_start3A_65 = tpu.memref_squeeze %dma_start3A_64 : memref<1x128xi32, #tpu.memory_space<vmem>> -> memref<128xi32, #tpu.memory_space<vmem>>
      %dma_start3A_66 = arith.constant 0 : i32
      %dma_start3A_67 = arith.constant 0 : i32
      %dma_start3A_68 = tpu.memref_slice %arg2[%dma_start3A_66, %dma_start3A_67] : memref<10000x128xf32, #tpu.memory_space<hbm>> -> memref<10000x128xf32, #tpu.memory_space<hbm>>
      tpu.enqueue_indirect_dma source(%dma_start3A_68 : memref<10000x128xf32, #tpu.memory_space<hbm>>) target(%arg8 : memref<128x128xf32, #tpu.memory_space<vmem>>) offsets(%dma_start3A_65 : memref<128xi32, #tpu.memory_space<vmem>>) semaphore(%arg10 : memref<!tpu.dma_semaphore, #tpu.memory_space<semaphore_mem>>)
      %dma_wait3A_69 = arith.constant 0 : i32
      %dma_wait3A_70 = tpu.memref_slice %arg6[%add3A_62, %dma_wait3A_69] : memref<79x128xi32, #tpu.memory_space<vmem>> -> memref<1x128xi32, #tpu.memory_space<vmem>>
      %dma_wait3A_71 = tpu.memref_squeeze %dma_wait3A_70 : memref<1x128xi32, #tpu.memory_space<vmem>> -> memref<128xi32, #tpu.memory_space<vmem>>
      %dma_wait3A_72 = arith.constant 0 : i32
      %dma_wait3A_73 = arith.constant 0 : i32
      %dma_wait3A_74 = tpu.memref_slice %arg2[%dma_wait3A_72, %dma_wait3A_73] : memref<10000x128xf32, #tpu.memory_space<hbm>> -> memref<10000x128xf32, #tpu.memory_space<hbm>>
      tpu.wait_indirect_dma semaphore(%arg10 : memref<!tpu.dma_semaphore, #tpu.memory_space<semaphore_mem>>) src(%dma_wait3A_74 : memref<10000x128xf32, #tpu.memory_space<hbm>>) dst(%arg8 : memref<128x128xf32, #tpu.memory_space<vmem>>)
      "tpu.region"() ({
        %run_scoped3A = tpu.sem_alloc : memref<!tpu.dma_semaphore, #tpu.memory_space<semaphore_mem>>
        %dma_start3A_75 = arith.constant 0 : i32
        %dma_start3A_76 = tpu.memref_slice %arg7[%add3A_62, %dma_start3A_75] : memref<79x128xi32, #tpu.memory_space<vmem>> -> memref<1x128xi32, #tpu.memory_space<vmem>>
        %dma_start3A_77 = tpu.memref_squeeze %dma_start3A_76 : memref<1x128xi32, #tpu.memory_space<vmem>> -> memref<128xi32, #tpu.memory_space<vmem>>
        %dma_start3A_78 = arith.constant 0 : i32
        %dma_start3A_79 = arith.constant 0 : i32
        %dma_start3A_80 = tpu.memref_slice %arg9[%dma_start3A_78, %dma_start3A_79] : memref<10112x128xf32, #tpu.memory_space<vmem_shared>> -> memref<10112x128xf32, #tpu.memory_space<vmem_shared>>
        tpu.enqueue_indirect_dma source(%arg8 : memref<128x128xf32, #tpu.memory_space<vmem>>) target(%dma_start3A_80 : memref<10112x128xf32, #tpu.memory_space<vmem_shared>>) offsets(%dma_start3A_77 : memref<128xi32, #tpu.memory_space<vmem>>) semaphore(%run_scoped3A : memref<!tpu.dma_semaphore, #tpu.memory_space<semaphore_mem>>) {add = true}
        %dma_wait3A_81 = arith.constant 0 : i32
        %dma_wait3A_82 = tpu.memref_slice %arg7[%add3A_62, %dma_wait3A_81] : memref<79x128xi32, #tpu.memory_space<vmem>> -> memref<1x128xi32, #tpu.memory_space<vmem>>
        %dma_wait3A_83 = tpu.memref_squeeze %dma_wait3A_82 : memref<1x128xi32, #tpu.memory_space<vmem>> -> memref<128xi32, #tpu.memory_space<vmem>>
        %dma_wait3A_84 = arith.constant 0 : i32
        %dma_wait3A_85 = arith.constant 0 : i32
        %dma_wait3A_86 = tpu.memref_slice %arg9[%dma_wait3A_84, %dma_wait3A_85] : memref<10112x128xf32, #tpu.memory_space<vmem_shared>> -> memref<10112x128xf32, #tpu.memory_space<vmem_shared>>
        tpu.wait_indirect_dma semaphore(%run_scoped3A : memref<!tpu.dma_semaphore, #tpu.memory_space<semaphore_mem>>) src(%arg8 : memref<128x128xf32, #tpu.memory_space<vmem>>) dst(%dma_wait3A_86 : memref<10112x128xf32, #tpu.memory_space<vmem_shared>>)
        tpu.yield
      }) : () -> ()
    }
    %scan3A_52 = arith.constant 79 : i32
    %barrier3A_53 = arith.constant 0 : index
    tpu.barrier barrier_id(%barrier3A_53)
    %mul3A_54 = arith.constant 632 : i32
    %mul3A_55 = arith.muli %arg1, %mul3A_54 : i32
    %mul3A_56 = arith.constant 632 : i32
    %mul3A_57 = arith.muli %arg1, %mul3A_56 : i32
    "tpu.region"() ({
      %run_scoped3A = tpu.sem_alloc : memref<!tpu.dma_semaphore, #tpu.memory_space<semaphore_mem>>
      %dma_start3A_58 = arith.constant 0 : i32
      %dma_start3A_59 = tpu.memref_slice %arg5[%arg0, %mul3A_57, %dma_start3A_58] : memref<2x10112x128xf32, #tpu.memory_space<hbm>> -> memref<1x632x128xf32, #tpu.memory_space<hbm>>
      %dma_start3A_60 = tpu.memref_squeeze %dma_start3A_59 : memref<1x632x128xf32, #tpu.memory_space<hbm>> -> memref<632x128xf32, #tpu.memory_space<hbm>>
      %dma_start3A_61 = arith.constant 0 : i32
      %dma_start3A_62 = tpu.memref_slice %arg9[%mul3A_55, %dma_start3A_61] : memref<10112x128xf32, #tpu.memory_space<vmem_shared>> -> memref<632x128xf32, #tpu.memory_space<vmem_shared>>
      tpu.enqueue_dma source(%dma_start3A_62 : memref<632x128xf32, #tpu.memory_space<vmem_shared>>) target(%dma_start3A_60 : memref<632x128xf32, #tpu.memory_space<hbm>>) target_semaphore(%run_scoped3A : memref<!tpu.dma_semaphore, #tpu.memory_space<semaphore_mem>>)
      %dma_wait3A_63 = arith.constant 0 : i32
      %dma_wait3A_64 = tpu.memref_slice %arg5[%arg0, %mul3A_57, %dma_wait3A_63] : memref<2x10112x128xf32, #tpu.memory_space<hbm>> -> memref<1x632x128xf32, #tpu.memory_space<hbm>>
      %dma_wait3A_65 = tpu.memref_squeeze %dma_wait3A_64 : memref<1x632x128xf32, #tpu.memory_space<hbm>> -> memref<632x128xf32, #tpu.memory_space<hbm>>
      %dma_wait3A_66 = arith.constant 0 : i32
      %dma_wait3A_67 = tpu.memref_slice %arg9[%mul3A_55, %dma_wait3A_66] : memref<10112x128xf32, #tpu.memory_space<vmem_shared>> -> memref<632x128xf32, #tpu.memory_space<vmem_shared>>
      tpu.wait_dma2 semaphore(%run_scoped3A : memref<!tpu.dma_semaphore, #tpu.memory_space<semaphore_mem>>) src(%dma_wait3A_67 : memref<632x128xf32, #tpu.memory_space<vmem_shared>>) dst(%dma_wait3A_65 : memref<632x128xf32, #tpu.memory_space<hbm>>)
      tpu.yield
    }) : () -> ()
    return
  }
}

#map = affine_map<(d0, d1) -> (0, 0)>
#map1 = affine_map<(d0, d1) -> (0, 0, 0)>
module attributes {stable_mosaic.version = 14 : i64} {
  func.func @k(%arg0: i32, %arg1: i32, %arg2: memref<10000x128xf32, #tpu.memory_space<hbm>>, %arg3: memref<32x79x128xi32, #tpu.memory_space<hbm>>, %arg4: memref<32x79x128xi32, #tpu.memory_space<hbm>>, %arg5: memref<2x10112x128xf32, #tpu.memory_space<hbm>>, %arg6: memref<79x128xi32, #tpu.memory_space<vmem>>, %arg7: memref<79x128xi32, #tpu.memory_space<vmem>>, %arg8: memref<128x128xf32, #tpu.memory_space<vmem>>, %arg9: memref<10112x128xf32, #tpu.memory_space<vmem_shared>>, %arg10: memref<!tpu.dma_semaphore, #tpu.memory_space<semaphore_mem>>) attributes {dimension_semantics = [#tpu.dimension_semantics<core_parallel>, #tpu.dimension_semantics<subcore_parallel>], iteration_bounds = array<i64: 2, 16>, scalar_prefetch = 0 : i64, scratch_operands = 5 : i64, tpu.core_type = #tpu.core_type<sc_vector_subcore>, window_params = [{transform_indices = #map}, {transform_indices = #map1}, {transform_indices = #map1}, {transform_indices = #map1}]} {
    %mul3A = arith.constant 2 : i32
    %mul3A_0 = arith.muli %arg1, %mul3A : i32
    %add3A = arith.addi %mul3A_0, %arg0 : i32
    %dma_start3A = arith.constant 0 : i32
    %dma_start3A_1 = arith.constant 0 : i32
    %dma_start3A_2 = tpu.memref_slice %arg3[%add3A, %dma_start3A, %dma_start3A_1] : memref<32x79x128xi32, #tpu.memory_space<hbm>> -> memref<1x79x128xi32, #tpu.memory_space<hbm>>
    %dma_start3A_3 = tpu.memref_squeeze %dma_start3A_2 : memref<1x79x128xi32, #tpu.memory_space<hbm>> -> memref<79x128xi32, #tpu.memory_space<hbm>>
    %dma_start3A_4 = arith.constant 0 : i32
    %dma_start3A_5 = arith.constant 0 : i32
    %dma_start3A_6 = tpu.memref_slice %arg3[%add3A, %dma_start3A_4, %dma_start3A_5] : memref<32x79x128xi32, #tpu.memory_space<hbm>> -> memref<1x79x128xi32, #tpu.memory_space<hbm>>
    %dma_start3A_7 = tpu.memref_squeeze %dma_start3A_6 : memref<1x79x128xi32, #tpu.memory_space<hbm>> -> memref<79x128xi32, #tpu.memory_space<hbm>>
    tpu.enqueue_dma source(%dma_start3A_7 : memref<79x128xi32, #tpu.memory_space<hbm>>) target(%arg6 : memref<79x128xi32, #tpu.memory_space<vmem>>) target_semaphore(%arg10 : memref<!tpu.dma_semaphore, #tpu.memory_space<semaphore_mem>>)
    %dma_start3A_8 = arith.constant 0 : i32
    %dma_start3A_9 = arith.constant 0 : i32
    %dma_start3A_10 = tpu.memref_slice %arg4[%add3A, %dma_start3A_8, %dma_start3A_9] : memref<32x79x128xi32, #tpu.memory_space<hbm>> -> memref<1x79x128xi32, #tpu.memory_space<hbm>>
    %dma_start3A_11 = tpu.memref_squeeze %dma_start3A_10 : memref<1x79x128xi32, #tpu.memory_space<hbm>> -> memref<79x128xi32, #tpu.memory_space<hbm>>
    %dma_start3A_12 = arith.constant 0 : i32
    %dma_start3A_13 = arith.constant 0 : i32
    %dma_start3A_14 = tpu.memref_slice %arg4[%add3A, %dma_start3A_12, %dma_start3A_13] : memref<32x79x128xi32, #tpu.memory_space<hbm>> -> memref<1x79x128xi32, #tpu.memory_space<hbm>>
    %dma_start3A_15 = tpu.memref_squeeze %dma_start3A_14 : memref<1x79x128xi32, #tpu.memory_space<hbm>> -> memref<79x128xi32, #tpu.memory_space<hbm>>
    tpu.enqueue_dma source(%dma_start3A_15 : memref<79x128xi32, #tpu.memory_space<hbm>>) target(%arg7 : memref<79x128xi32, #tpu.memory_space<vmem>>) target_semaphore(%arg10 : memref<!tpu.dma_semaphore, #tpu.memory_space<semaphore_mem>>)
    %broadcast_in_dim3A = arith.constant 0.000000e+00 : f32
    %broadcast_in_dim3A_16 = vector.broadcast %broadcast_in_dim3A : f32 to vector<16xf32>
    %scan3A = arith.constant 0 : i32
    %scan3A_17 = arith.constant 128 : i32
    %scan3A_18 = arith.addi %scan3A, %scan3A_17 : i32
    %scan3A_19 = arith.constant 1 : i32
    scf.for %scan3A_58 = %scan3A to %scan3A_18 step %scan3A_19  : i32 {
      %mul3A_59 = arith.constant 1 : i32
      %mul3A_60 = arith.muli %scan3A_58, %mul3A_59 : i32
      %add3A_61 = arith.constant 0 : i32
      %add3A_62 = arith.addi %add3A_61, %mul3A_60 : i32
      %swap3A = arith.index_cast %add3A_62 : i32 to index
      %swap3A_63 = arith.constant 0 : index
      %swap3A_64 = tpu.vector_load %arg8[%swap3A, %swap3A_63] {strides = array<i32>} : memref<128x128xf32, #tpu.memory_space<vmem>>, vector<1x16xf32>,
      %swap3A_65 = vector.shape_cast %swap3A_64 : vector<1x16xf32> to vector<16xf32>
      %swap3A_66 = vector.shape_cast %broadcast_in_dim3A_16 : vector<16xf32> to vector<1x16xf32>
      tpu.vector_store %arg8[%swap3A, %swap3A_63], %swap3A_66 {strides = array<i32>} : memref<128x128xf32, #tpu.memory_space<vmem>>, vector<1x16xf32>,
      %swap3A_67 = arith.index_cast %add3A_62 : i32 to index
      %swap3A_68 = arith.constant 16 : index
      %swap3A_69 = tpu.vector_load %arg8[%swap3A_67, %swap3A_68] {strides = array<i32>} : memref<128x128xf32, #tpu.memory_space<vmem>>, vector<1x16xf32>,
      %swap3A_70 = vector.shape_cast %swap3A_69 : vector<1x16xf32> to vector<16xf32>
      %swap3A_71 = vector.shape_cast %broadcast_in_dim3A_16 : vector<16xf32> to vector<1x16xf32>
      tpu.vector_store %arg8[%swap3A_67, %swap3A_68], %swap3A_71 {strides = array<i32>} : memref<128x128xf32, #tpu.memory_space<vmem>>, vector<1x16xf32>,
      %swap3A_72 = arith.index_cast %add3A_62 : i32 to index
      %swap3A_73 = arith.constant 32 : index
      %swap3A_74 = tpu.vector_load %arg8[%swap3A_72, %swap3A_73] {strides = array<i32>} : memref<128x128xf32, #tpu.memory_space<vmem>>, vector<1x16xf32>,
      %swap3A_75 = vector.shape_cast %swap3A_74 : vector<1x16xf32> to vector<16xf32>
      %swap3A_76 = vector.shape_cast %broadcast_in_dim3A_16 : vector<16xf32> to vector<1x16xf32>
      tpu.vector_store %arg8[%swap3A_72, %swap3A_73], %swap3A_76 {strides = array<i32>} : memref<128x128xf32, #tpu.memory_space<vmem>>, vector<1x16xf32>,
      %swap3A_77 = arith.index_cast %add3A_62 : i32 to index
      %swap3A_78 = arith.constant 48 : index
      %swap3A_79 = tpu.vector_load %arg8[%swap3A_77, %swap3A_78] {strides = array<i32>} : memref<128x128xf32, #tpu.memory_space<vmem>>, vector<1x16xf32>,
      %swap3A_80 = vector.shape_cast %swap3A_79 : vector<1x16xf32> to vector<16xf32>
      %swap3A_81 = vector.shape_cast %broadcast_in_dim3A_16 : vector<16xf32> to vector<1x16xf32>
      tpu.vector_store %arg8[%swap3A_77, %swap3A_78], %swap3A_81 {strides = array<i32>} : memref<128x128xf32, #tpu.memory_space<vmem>>, vector<1x16xf32>,
      %swap3A_82 = arith.index_cast %add3A_62 : i32 to index
      %swap3A_83 = arith.constant 64 : index
      %swap3A_84 = tpu.vector_load %arg8[%swap3A_82, %swap3A_83] {strides = array<i32>} : memref<128x128xf32, #tpu.memory_space<vmem>>, vector<1x16xf32>,
      %swap3A_85 = vector.shape_cast %swap3A_84 : vector<1x16xf32> to vector<16xf32>
      %swap3A_86 = vector.shape_cast %broadcast_in_dim3A_16 : vector<16xf32> to vector<1x16xf32>
      tpu.vector_store %arg8[%swap3A_82, %swap3A_83], %swap3A_86 {strides = array<i32>} : memref<128x128xf32, #tpu.memory_space<vmem>>, vector<1x16xf32>,
      %swap3A_87 = arith.index_cast %add3A_62 : i32 to index
      %swap3A_88 = arith.constant 80 : index
      %swap3A_89 = tpu.vector_load %arg8[%swap3A_87, %swap3A_88] {strides = array<i32>} : memref<128x128xf32, #tpu.memory_space<vmem>>, vector<1x16xf32>,
      %swap3A_90 = vector.shape_cast %swap3A_89 : vector<1x16xf32> to vector<16xf32>
      %swap3A_91 = vector.shape_cast %broadcast_in_dim3A_16 : vector<16xf32> to vector<1x16xf32>
      tpu.vector_store %arg8[%swap3A_87, %swap3A_88], %swap3A_91 {strides = array<i32>} : memref<128x128xf32, #tpu.memory_space<vmem>>, vector<1x16xf32>,
      %swap3A_92 = arith.index_cast %add3A_62 : i32 to index
      %swap3A_93 = arith.constant 96 : index
      %swap3A_94 = tpu.vector_load %arg8[%swap3A_92, %swap3A_93] {strides = array<i32>} : memref<128x128xf32, #tpu.memory_space<vmem>>, vector<1x16xf32>,
      %swap3A_95 = vector.shape_cast %swap3A_94 : vector<1x16xf32> to vector<16xf32>
      %swap3A_96 = vector.shape_cast %broadcast_in_dim3A_16 : vector<16xf32> to vector<1x16xf32>
      tpu.vector_store %arg8[%swap3A_92, %swap3A_93], %swap3A_96 {strides = array<i32>} : memref<128x128xf32, #tpu.memory_space<vmem>>, vector<1x16xf32>,
      %swap3A_97 = arith.index_cast %add3A_62 : i32 to index
      %swap3A_98 = arith.constant 112 : index
      %swap3A_99 = tpu.vector_load %arg8[%swap3A_97, %swap3A_98] {strides = array<i32>} : memref<128x128xf32, #tpu.memory_space<vmem>>, vector<1x16xf32>,
      %swap3A_100 = vector.shape_cast %swap3A_99 : vector<1x16xf32> to vector<16xf32>
      %swap3A_101 = vector.shape_cast %broadcast_in_dim3A_16 : vector<16xf32> to vector<1x16xf32>
      tpu.vector_store %arg8[%swap3A_97, %swap3A_98], %swap3A_101 {strides = array<i32>} : memref<128x128xf32, #tpu.memory_space<vmem>>, vector<1x16xf32>,
    }
    %scan3A_20 = arith.constant 128 : i32
    %dma_wait3A = arith.constant 0 : i32
    %dma_wait3A_21 = arith.constant 0 : i32
    %dma_wait3A_22 = tpu.memref_slice %arg3[%add3A, %dma_wait3A, %dma_wait3A_21] : memref<32x79x128xi32, #tpu.memory_space<hbm>> -> memref<1x79x128xi32, #tpu.memory_space<hbm>>
    %dma_wait3A_23 = tpu.memref_squeeze %dma_wait3A_22 : memref<1x79x128xi32, #tpu.memory_space<hbm>> -> memref<79x128xi32, #tpu.memory_space<hbm>>
    %dma_wait3A_24 = arith.constant 0 : i32
    %dma_wait3A_25 = arith.constant 0 : i32
    %dma_wait3A_26 = tpu.memref_slice %arg3[%add3A, %dma_wait3A_24, %dma_wait3A_25] : memref<32x79x128xi32, #tpu.memory_space<hbm>> -> memref<1x79x128xi32, #tpu.memory_space<hbm>>
    %dma_wait3A_27 = tpu.memref_squeeze %dma_wait3A_26 : memref<1x79x128xi32, #tpu.memory_space<hbm>> -> memref<79x128xi32, #tpu.memory_space<hbm>>
    tpu.wait_dma2 semaphore(%arg10 : memref<!tpu.dma_semaphore, #tpu.memory_space<semaphore_mem>>) src(%dma_wait3A_27 : memref<79x128xi32, #tpu.memory_space<hbm>>) dst(%arg6 : memref<79x128xi32, #tpu.memory_space<vmem>>)
    %dma_wait3A_28 = arith.constant 0 : i32
    %dma_wait3A_29 = arith.constant 0 : i32
    %dma_wait3A_30 = tpu.memref_slice %arg4[%add3A, %dma_wait3A_28, %dma_wait3A_29] : memref<32x79x128xi32, #tpu.memory_space<hbm>> -> memref<1x79x128xi32, #tpu.memory_space<hbm>>
    %dma_wait3A_31 = tpu.memref_squeeze %dma_wait3A_30 : memref<1x79x128xi32, #tpu.memory_space<hbm>> -> memref<79x128xi32, #tpu.memory_space<hbm>>
    %dma_wait3A_32 = arith.constant 0 : i32
    %dma_wait3A_33 = arith.constant 0 : i32
    %dma_wait3A_34 = tpu.memref_slice %arg4[%add3A, %dma_wait3A_32, %dma_wait3A_33] : memref<32x79x128xi32, #tpu.memory_space<hbm>> -> memref<1x79x128xi32, #tpu.memory_space<hbm>>
    %dma_wait3A_35 = tpu.memref_squeeze %dma_wait3A_34 : memref<1x79x128xi32, #tpu.memory_space<hbm>> -> memref<79x128xi32, #tpu.memory_space<hbm>>
    tpu.wait_dma2 semaphore(%arg10 : memref<!tpu.dma_semaphore, #tpu.memory_space<semaphore_mem>>) src(%dma_wait3A_35 : memref<79x128xi32, #tpu.memory_space<hbm>>) dst(%arg7 : memref<79x128xi32, #tpu.memory_space<vmem>>)
    %mul3A_36 = arith.constant 632 : i32
    %mul3A_37 = arith.muli %arg1, %mul3A_36 : i32
    %add3A_38 = arith.constant 0 : i32
    %add3A_39 = arith.addi %mul3A_37, %add3A_38 : i32
    "tpu.region"() ({
      %run_scoped3A = tpu.sem_alloc : memref<!tpu.dma_semaphore, #tpu.memory_space<semaphore_mem>>
      %dma_start3A_58 = arith.constant 0 : i32
      %dma_start3A_59 = tpu.memref_slice %arg9[%add3A_39, %dma_start3A_58] : memref<10112x128xf32, #tpu.memory_space<vmem_shared>> -> memref<128x128xf32, #tpu.memory_space<vmem_shared>>
      %dma_start3A_60 = arith.constant 0 : i32
      %dma_start3A_61 = tpu.memref_slice %arg9[%add3A_39, %dma_start3A_60] : memref<10112x128xf32, #tpu.memory_space<vmem_shared>> -> memref<128x128xf32, #tpu.memory_space<vmem_shared>>
      tpu.enqueue_dma source(%arg8 : memref<128x128xf32, #tpu.memory_space<vmem>>) target(%dma_start3A_61 : memref<128x128xf32, #tpu.memory_space<vmem_shared>>) target_semaphore(%run_scoped3A : memref<!tpu.dma_semaphore, #tpu.memory_space<semaphore_mem>>)
      %dma_wait3A_62 = arith.constant 0 : i32
      %dma_wait3A_63 = tpu.memref_slice %arg9[%add3A_39, %dma_wait3A_62] : memref<10112x128xf32, #tpu.memory_space<vmem_shared>> -> memref<128x128xf32, #tpu.memory_space<vmem_shared>>
      %dma_wait3A_64 = arith.constant 0 : i32
      %dma_wait3A_65 = tpu.memref_slice %arg9[%add3A_39, %dma_wait3A_64] : memref<10112x128xf32, #tpu.memory_space<vmem_shared>> -> memref<128x128xf32, #tpu.memory_space<vmem_shared>>
      tpu.wait_dma2 semaphore(%run_scoped3A : memref<!tpu.dma_semaphore, #tpu.memory_space<semaphore_mem>>) src(%arg8 : memref<128x128xf32, #tpu.memory_space<vmem>>) dst(%dma_wait3A_65 : memref<128x128xf32, #tpu.memory_space<vmem_shared>>)
      tpu.yield
    }) : () -> ()
    %add3A_40 = arith.constant 128 : i32
    %add3A_41 = arith.addi %mul3A_37, %add3A_40 : i32
    "tpu.region"() ({
      %run_scoped3A = tpu.sem_alloc : memref<!tpu.dma_semaphore, #tpu.memory_space<semaphore_mem>>
      %dma_start3A_58 = arith.constant 0 : i32
      %dma_start3A_59 = tpu.memref_slice %arg9[%add3A_41, %dma_start3A_58] : memref<10112x128xf32, #tpu.memory_space<vmem_shared>> -> memref<128x128xf32, #tpu.memory_space<vmem_shared>>
      %dma_start3A_60 = arith.constant 0 : i32
      %dma_start3A_61 = tpu.memref_slice %arg9[%add3A_41, %dma_start3A_60] : memref<10112x128xf32, #tpu.memory_space<vmem_shared>> -> memref<128x128xf32, #tpu.memory_space<vmem_shared>>
      tpu.enqueue_dma source(%arg8 : memref<128x128xf32, #tpu.memory_space<vmem>>) target(%dma_start3A_61 : memref<128x128xf32, #tpu.memory_space<vmem_shared>>) target_semaphore(%run_scoped3A : memref<!tpu.dma_semaphore, #tpu.memory_space<semaphore_mem>>)
      %dma_wait3A_62 = arith.constant 0 : i32
      %dma_wait3A_63 = tpu.memref_slice %arg9[%add3A_41, %dma_wait3A_62] : memref<10112x128xf32, #tpu.memory_space<vmem_shared>> -> memref<128x128xf32, #tpu.memory_space<vmem_shared>>
      %dma_wait3A_64 = arith.constant 0 : i32
      %dma_wait3A_65 = tpu.memref_slice %arg9[%add3A_41, %dma_wait3A_64] : memref<10112x128xf32, #tpu.memory_space<vmem_shared>> -> memref<128x128xf32, #tpu.memory_space<vmem_shared>>
      tpu.wait_dma2 semaphore(%run_scoped3A : memref<!tpu.dma_semaphore, #tpu.memory_space<semaphore_mem>>) src(%arg8 : memref<128x128xf32, #tpu.memory_space<vmem>>) dst(%dma_wait3A_65 : memref<128x128xf32, #tpu.memory_space<vmem_shared>>)
      tpu.yield
    }) : () -> ()
    %add3A_42 = arith.constant 256 : i32
    %add3A_43 = arith.addi %mul3A_37, %add3A_42 : i32
    "tpu.region"() ({
      %run_scoped3A = tpu.sem_alloc : memref<!tpu.dma_semaphore, #tpu.memory_space<semaphore_mem>>
      %dma_start3A_58 = arith.constant 0 : i32
      %dma_start3A_59 = tpu.memref_slice %arg9[%add3A_43, %dma_start3A_58] : memref<10112x128xf32, #tpu.memory_space<vmem_shared>> -> memref<128x128xf32, #tpu.memory_space<vmem_shared>>
      %dma_start3A_60 = arith.constant 0 : i32
      %dma_start3A_61 = tpu.memref_slice %arg9[%add3A_43, %dma_start3A_60] : memref<10112x128xf32, #tpu.memory_space<vmem_shared>> -> memref<128x128xf32, #tpu.memory_space<vmem_shared>>
      tpu.enqueue_dma source(%arg8 : memref<128x128xf32, #tpu.memory_space<vmem>>) target(%dma_start3A_61 : memref<128x128xf32, #tpu.memory_space<vmem_shared>>) target_semaphore(%run_scoped3A : memref<!tpu.dma_semaphore, #tpu.memory_space<semaphore_mem>>)
      %dma_wait3A_62 = arith.constant 0 : i32
      %dma_wait3A_63 = tpu.memref_slice %arg9[%add3A_43, %dma_wait3A_62] : memref<10112x128xf32, #tpu.memory_space<vmem_shared>> -> memref<128x128xf32, #tpu.memory_space<vmem_shared>>
      %dma_wait3A_64 = arith.constant 0 : i32
      %dma_wait3A_65 = tpu.memref_slice %arg9[%add3A_43, %dma_wait3A_64] : memref<10112x128xf32, #tpu.memory_space<vmem_shared>> -> memref<128x128xf32, #tpu.memory_space<vmem_shared>>
      tpu.wait_dma2 semaphore(%run_scoped3A : memref<!tpu.dma_semaphore, #tpu.memory_space<semaphore_mem>>) src(%arg8 : memref<128x128xf32, #tpu.memory_space<vmem>>) dst(%dma_wait3A_65 : memref<128x128xf32, #tpu.memory_space<vmem_shared>>)
      tpu.yield
    }) : () -> ()
    %add3A_44 = arith.constant 384 : i32
    %add3A_45 = arith.addi %mul3A_37, %add3A_44 : i32
    "tpu.region"() ({
      %run_scoped3A = tpu.sem_alloc : memref<!tpu.dma_semaphore, #tpu.memory_space<semaphore_mem>>
      %dma_start3A_58 = arith.constant 0 : i32
      %dma_start3A_59 = tpu.memref_slice %arg9[%add3A_45, %dma_start3A_58] : memref<10112x128xf32, #tpu.memory_space<vmem_shared>> -> memref<128x128xf32, #tpu.memory_space<vmem_shared>>
      %dma_start3A_60 = arith.constant 0 : i32
      %dma_start3A_61 = tpu.memref_slice %arg9[%add3A_45, %dma_start3A_60] : memref<10112x128xf32, #tpu.memory_space<vmem_shared>> -> memref<128x128xf32, #tpu.memory_space<vmem_shared>>
      tpu.enqueue_dma source(%arg8 : memref<128x128xf32, #tpu.memory_space<vmem>>) target(%dma_start3A_61 : memref<128x128xf32, #tpu.memory_space<vmem_shared>>) target_semaphore(%run_scoped3A : memref<!tpu.dma_semaphore, #tpu.memory_space<semaphore_mem>>)
      %dma_wait3A_62 = arith.constant 0 : i32
      %dma_wait3A_63 = tpu.memref_slice %arg9[%add3A_45, %dma_wait3A_62] : memref<10112x128xf32, #tpu.memory_space<vmem_shared>> -> memref<128x128xf32, #tpu.memory_space<vmem_shared>>
      %dma_wait3A_64 = arith.constant 0 : i32
      %dma_wait3A_65 = tpu.memref_slice %arg9[%add3A_45, %dma_wait3A_64] : memref<10112x128xf32, #tpu.memory_space<vmem_shared>> -> memref<128x128xf32, #tpu.memory_space<vmem_shared>>
      tpu.wait_dma2 semaphore(%run_scoped3A : memref<!tpu.dma_semaphore, #tpu.memory_space<semaphore_mem>>) src(%arg8 : memref<128x128xf32, #tpu.memory_space<vmem>>) dst(%dma_wait3A_65 : memref<128x128xf32, #tpu.memory_space<vmem_shared>>)
      tpu.yield
    }) : () -> ()
    %add3A_46 = arith.constant 512 : i32
    %add3A_47 = arith.addi %mul3A_37, %add3A_46 : i32
    "tpu.region"() ({
      %run_scoped3A = tpu.sem_alloc : memref<!tpu.dma_semaphore, #tpu.memory_space<semaphore_mem>>
      %dma_start3A_58 = arith.constant 0 : i32
      %dma_start3A_59 = arith.constant 0 : i32
      %dma_start3A_60 = tpu.memref_slice %arg8[%dma_start3A_58, %dma_start3A_59] : memref<128x128xf32, #tpu.memory_space<vmem>> -> memref<120x128xf32, #tpu.memory_space<vmem>>
      %dma_start3A_61 = arith.constant 0 : i32
      %dma_start3A_62 = tpu.memref_slice %arg9[%add3A_47, %dma_start3A_61] : memref<10112x128xf32, #tpu.memory_space<vmem_shared>> -> memref<120x128xf32, #tpu.memory_space<vmem_shared>>
      %dma_start3A_63 = arith.constant 0 : i32
      %dma_start3A_64 = tpu.memref_slice %arg9[%add3A_47, %dma_start3A_63] : memref<10112x128xf32, #tpu.memory_space<vmem_shared>> -> memref<120x128xf32, #tpu.memory_space<vmem_shared>>
      %dma_start3A_65 = arith.constant 0 : i32
      %dma_start3A_66 = arith.constant 0 : i32
      %dma_start3A_67 = tpu.memref_slice %arg8[%dma_start3A_65, %dma_start3A_66] : memref<128x128xf32, #tpu.memory_space<vmem>> -> memref<120x128xf32, #tpu.memory_space<vmem>>
      tpu.enqueue_dma source(%dma_start3A_67 : memref<120x128xf32, #tpu.memory_space<vmem>>) target(%dma_start3A_64 : memref<120x128xf32, #tpu.memory_space<vmem_shared>>) target_semaphore(%run_scoped3A : memref<!tpu.dma_semaphore, #tpu.memory_space<semaphore_mem>>)
      %dma_wait3A_68 = arith.constant 0 : i32
      %dma_wait3A_69 = arith.constant 0 : i32
      %dma_wait3A_70 = tpu.memref_slice %arg8[%dma_wait3A_68, %dma_wait3A_69] : memref<128x128xf32, #tpu.memory_space<vmem>> -> memref<120x128xf32, #tpu.memory_space<vmem>>
      %dma_wait3A_71 = arith.constant 0 : i32
      %dma_wait3A_72 = tpu.memref_slice %arg9[%add3A_47, %dma_wait3A_71] : memref<10112x128xf32, #tpu.memory_space<vmem_shared>> -> memref<120x128xf32, #tpu.memory_space<vmem_shared>>
      %dma_wait3A_73 = arith.constant 0 : i32
      %dma_wait3A_74 = tpu.memref_slice %arg9[%add3A_47, %dma_wait3A_73] : memref<10112x128xf32, #tpu.memory_space<vmem_shared>> -> memref<120x128xf32, #tpu.memory_space<vmem_shared>>
      %dma_wait3A_75 = arith.constant 0 : i32
      %dma_wait3A_76 = arith.constant 0 : i32
      %dma_wait3A_77 = tpu.memref_slice %arg8[%dma_wait3A_75, %dma_wait3A_76] : memref<128x128xf32, #tpu.memory_space<vmem>> -> memref<120x128xf32, #tpu.memory_space<vmem>>
      tpu.wait_dma2 semaphore(%run_scoped3A : memref<!tpu.dma_semaphore, #tpu.memory_space<semaphore_mem>>) src(%dma_wait3A_77 : memref<120x128xf32, #tpu.memory_space<vmem>>) dst(%dma_wait3A_74 : memref<120x128xf32, #tpu.memory_space<vmem_shared>>)
      tpu.yield
    }) : () -> ()
    %barrier3A = arith.constant 0 : index
    tpu.barrier barrier_id(%barrier3A)
    %scan3A_48 = arith.constant 0 : i32
    %scan3A_49 = arith.constant 79 : i32
    %scan3A_50 = arith.addi %scan3A_48, %scan3A_49 : i32
    %scan3A_51 = arith.constant 1 : i32
    scf.for %scan3A_58 = %scan3A_48 to %scan3A_50 step %scan3A_51  : i32 {
      %mul3A_59 = arith.constant 1 : i32
      %mul3A_60 = arith.muli %scan3A_58, %mul3A_59 : i32
      %add3A_61 = arith.constant 0 : i32
      %add3A_62 = arith.addi %add3A_61, %mul3A_60 : i32
      %dma_start3A_63 = arith.constant 0 : i32
      %dma_start3A_64 = tpu.memref_slice %arg6[%add3A_62, %dma_start3A_63] : memref<79x128xi32, #tpu.memory_space<vmem>> -> memref<1x128xi32, #tpu.memory_space<vmem>>
      %dma_start3A_65 = tpu.memref_squeeze %dma_start3A_64 : memref<1x128xi32, #tpu.memory_space<vmem>> -> memref<128xi32, #tpu.memory_space<vmem>>
      %dma_start3A_66 = arith.constant 0 : i32
      %dma_start3A_67 = arith.constant 0 : i32
      %dma_start3A_68 = tpu.memref_slice %arg2[%dma_start3A_66, %dma_start3A_67] : memref<10000x128xf32, #tpu.memory_space<hbm>> -> memref<10000x128xf32, #tpu.memory_space<hbm>>
      tpu.enqueue_indirect_dma source(%dma_start3A_68 : memref<10000x128xf32, #tpu.memory_space<hbm>>) target(%arg8 : memref<128x128xf32, #tpu.memory_space<vmem>>) offsets(%dma_start3A_65 : memref<128xi32, #tpu.memory_space<vmem>>) semaphore(%arg10 : memref<!tpu.dma_semaphore, #tpu.memory_space<semaphore_mem>>)
      %dma_wait3A_69 = arith.constant 0 : i32
      %dma_wait3A_70 = tpu.memref_slice %arg6[%add3A_62, %dma_wait3A_69] : memref<79x128xi32, #tpu.memory_space<vmem>> -> memref<1x128xi32, #tpu.memory_space<vmem>>
      %dma_wait3A_71 = tpu.memref_squeeze %dma_wait3A_70 : memref<1x128xi32, #tpu.memory_space<vmem>> -> memref<128xi32, #tpu.memory_space<vmem>>
      %dma_wait3A_72 = arith.constant 0 : i32
      %dma_wait3A_73 = arith.constant 0 : i32
      %dma_wait3A_74 = tpu.memref_slice %arg2[%dma_wait3A_72, %dma_wait3A_73] : memref<10000x128xf32, #tpu.memory_space<hbm>> -> memref<10000x128xf32, #tpu.memory_space<hbm>>
      tpu.wait_indirect_dma semaphore(%arg10 : memref<!tpu.dma_semaphore, #tpu.memory_space<semaphore_mem>>) src(%dma_wait3A_74 : memref<10000x128xf32, #tpu.memory_space<hbm>>) dst(%arg8 : memref<128x128xf32, #tpu.memory_space<vmem>>)
      "tpu.region"() ({
        %run_scoped3A = tpu.sem_alloc : memref<!tpu.dma_semaphore, #tpu.memory_space<semaphore_mem>>
        %dma_start3A_75 = arith.constant 0 : i32
        %dma_start3A_76 = tpu.memref_slice %arg7[%add3A_62, %dma_start3A_75] : memref<79x128xi32, #tpu.memory_space<vmem>> -> memref<1x128xi32, #tpu.memory_space<vmem>>
        %dma_start3A_77 = tpu.memref_squeeze %dma_start3A_76 : memref<1x128xi32, #tpu.memory_space<vmem>> -> memref<128xi32, #tpu.memory_space<vmem>>
        %dma_start3A_78 = arith.constant 0 : i32
        %dma_start3A_79 = arith.constant 0 : i32
        %dma_start3A_80 = tpu.memref_slice %arg9[%dma_start3A_78, %dma_start3A_79] : memref<10112x128xf32, #tpu.memory_space<vmem_shared>> -> memref<10112x128xf32, #tpu.memory_space<vmem_shared>>
        tpu.enqueue_indirect_dma source(%arg8 : memref<128x128xf32, #tpu.memory_space<vmem>>) target(%dma_start3A_80 : memref<10112x128xf32, #tpu.memory_space<vmem_shared>>) offsets(%dma_start3A_77 : memref<128xi32, #tpu.memory_space<vmem>>) semaphore(%run_scoped3A : memref<!tpu.dma_semaphore, #tpu.memory_space<semaphore_mem>>) {add = true}
        %dma_wait3A_81 = arith.constant 0 : i32
        %dma_wait3A_82 = tpu.memref_slice %arg7[%add3A_62, %dma_wait3A_81] : memref<79x128xi32, #tpu.memory_space<vmem>> -> memref<1x128xi32, #tpu.memory_space<vmem>>
        %dma_wait3A_83 = tpu.memref_squeeze %dma_wait3A_82 : memref<1x128xi32, #tpu.memory_space<vmem>> -> memref<128xi32, #tpu.memory_space<vmem>>
        %dma_wait3A_84 = arith.constant 0 : i32
        %dma_wait3A_85 = arith.constant 0 : i32
        %dma_wait3A_86 = tpu.memref_slice %arg9[%dma_wait3A_84, %dma_wait3A_85] : memref<10112x128xf32, #tpu.memory_space<vmem_shared>> -> memref<10112x128xf32, #tpu.memory_space<vmem_shared>>
        tpu.wait_indirect_dma semaphore(%run_scoped3A : memref<!tpu.dma_semaphore, #tpu.memory_space<semaphore_mem>>) src(%arg8 : memref<128x128xf32, #tpu.memory_space<vmem>>) dst(%dma_wait3A_86 : memref<10112x128xf32, #tpu.memory_space<vmem_shared>>)
        tpu.yield
      }) : () -> ()
    }
    %scan3A_52 = arith.constant 79 : i32
    %barrier3A_53 = arith.constant 0 : index
    tpu.barrier barrier_id(%barrier3A_53)
    %mul3A_54 = arith.constant 632 : i32
    %mul3A_55 = arith.muli %arg1, %mul3A_54 : i32
    %mul3A_56 = arith.constant 632 : i32
    %mul3A_57 = arith.muli %arg1, %mul3A_56 : i32
    "tpu.region"() ({
      %run_scoped3A = tpu.sem_alloc : memref<!tpu.dma_semaphore, #tpu.memory_space<semaphore_mem>>
      %dma_start3A_58 = arith.constant 0 : i32
      %dma_start3A_59 = tpu.memref_slice %arg5[%arg0, %mul3A_57, %dma_start3A_58] : memref<2x10112x128xf32, #tpu.memory_space<hbm>> -> memref<1x632x128xf32, #tpu.memory_space<hbm>>
      %dma_start3A_60 = tpu.memref_squeeze %dma_start3A_59 : memref<1x632x128xf32, #tpu.memory_space<hbm>> -> memref<632x128xf32, #tpu.memory_space<hbm>>
      %dma_start3A_61 = arith.constant 0 : i32
      %dma_start3A_62 = tpu.memref_slice %arg9[%mul3A_55, %dma_start3A_61] : memref<10112x128xf32, #tpu.memory_space<vmem_shared>> -> memref<632x128xf32, #tpu.memory_space<vmem_shared>>
      tpu.enqueue_dma source(%dma_start3A_62 : memref<632x128xf32, #tpu.memory_space<vmem_shared>>) target(%dma_start3A_60 : memref<632x128xf32, #tpu.memory_space<hbm>>) target_semaphore(%run_scoped3A : memref<!tpu.dma_semaphore, #tpu.memory_space<semaphore_mem>>)
      %dma_wait3A_63 = arith.constant 0 : i32
      %dma_wait3A_64 = tpu.memref_slice %arg5[%arg0, %mul3A_57, %dma_wait3A_63] : memref<2x10112x128xf32, #tpu.memory_space<hbm>> -> memref<1x632x128xf32, #tpu.memory_space<hbm>>
      %dma_wait3A_65 = tpu.memref_squeeze %dma_wait3A_64 : memref<1x632x128xf32, #tpu.memory_space<hbm>> -> memref<632x128xf32, #tpu.memory_space<hbm>>
      %dma_wait3A_66 = arith.constant 0 : i32
      %dma_wait3A_67 = tpu.memref_slice %arg9[%mul3A_55, %dma_wait3A_66] : memref<10112x128xf32, #tpu.memory_space<vmem_shared>> -> memref<632x128xf32, #tpu.memory_space<vmem_shared>>
      tpu.wait_dma2 semaphore(%run_scoped3A : memref<!tpu.dma_semaphore, #tpu.memory_space<semaphore_mem>>) src(%dma_wait3A_67 : memref<632x128xf32, #tpu.memory_space<vmem_shared>>) dst(%dma_wait3A_65 : memref<632x128xf32, #tpu.memory_space<hbm>>)
      tpu.yield
    }) : () -> ()
    return
  }
}

module attributes {stable_mosaic.version = 14 : i64} {
  func.func @_mlp_body(%arg0: i32, %arg1: memref<5000x128xf32, #tpu.memory_space<vmem>>, %arg2: memref<1x5000x128xf32, #tpu.memory_space<vmem>>, %arg3: memref<1x5000x128xf32, #tpu.memory_space<vmem>>, %arg4: memref<128x128xf32, #tpu.memory_space<vmem>>, %arg5: memref<1x128xf32, #tpu.memory_space<vmem>>, %arg6: memref<128x128xf32, #tpu.memory_space<vmem>>, %arg7: memref<1x128xf32, #tpu.memory_space<vmem>>, %arg8: memref<5000x128xf32, #tpu.memory_space<vmem>>) attributes {dimension_semantics = [#tpu.dimension_semantics<arbitrary>], iteration_bounds = array<i64: 2>, scalar_prefetch = 0 : i64, scratch_operands = 0 : i64, tpu.core_type = #tpu.core_type<tc>, window_params = [{transform_indices = @transform_0, window_bounds = array<i64: 5000, 128>}, {transform_indices = @transform_1, window_bounds = array<i64: 1, 5000, 128>}, {transform_indices = @transform_2, window_bounds = array<i64: 1, 5000, 128>}, {pipeline_mode = #tpu.pipeline_mode<synchronous>, transform_indices = @transform_3, window_bounds = array<i64: 128, 128>}, {pipeline_mode = #tpu.pipeline_mode<synchronous>, transform_indices = @transform_4, window_bounds = array<i64: 1, 128>}, {pipeline_mode = #tpu.pipeline_mode<synchronous>, transform_indices = @transform_5, window_bounds = array<i64: 128, 128>}, {pipeline_mode = #tpu.pipeline_mode<synchronous>, transform_indices = @transform_6, window_bounds = array<i64: 1, 128>}, {transform_indices = @transform_7, window_bounds = array<i64: 5000, 128>}]} {
    %get3A = arith.constant 0 : index
    %get3A_0 = arith.constant 0 : index
    %get3A_1 = vector.load %arg1[%get3A, %get3A_0] : memref<5000x128xf32, #tpu.memory_space<vmem>>, vector<5000x128xf32>
    %get3A_2 = arith.constant 0 : index
    %get3A_3 = arith.constant 0 : index
    %get3A_4 = arith.constant 0 : index
    %get3A_5 = vector.load %arg2[%get3A_2, %get3A_3, %get3A_4] : memref<1x5000x128xf32, #tpu.memory_space<vmem>>, vector<1x5000x128xf32>
    %reshape3A = vector.shape_cast %get3A_5 : vector<1x5000x128xf32> to vector<5000x128xf32>
    %add3A = arith.addf %get3A_1, %reshape3A : vector<5000x128xf32>
    %get3A_6 = arith.constant 0 : index
    %get3A_7 = arith.constant 0 : index
    %get3A_8 = arith.constant 0 : index
    %get3A_9 = vector.load %arg3[%get3A_6, %get3A_7, %get3A_8] : memref<1x5000x128xf32, #tpu.memory_space<vmem>>, vector<1x5000x128xf32>
    %reshape3A_10 = vector.shape_cast %get3A_9 : vector<1x5000x128xf32> to vector<5000x128xf32>
    %add3A_11 = arith.addf %add3A, %reshape3A_10 : vector<5000x128xf32>
    %get3A_12 = arith.constant 0 : index
    %get3A_13 = arith.constant 0 : index
    %get3A_14 = vector.load %arg4[%get3A_12, %get3A_13] : memref<128x128xf32, #tpu.memory_space<vmem>>, vector<128x128xf32>
    %dot_general3A = arith.constant dense<0.000000e+00> : vector<5000x128xf32>
    %dot_general3A_15 = tpu.matmul %add3A_11, %get3A_14, %dot_general3A {dimension_numbers = #tpu.dot_dimension_numbers<[1], [0], [0], [1], [0, 0, 1, 1], [], []>, transpose_lhs_hint = false} : vector<5000x128xf32>, vector<128x128xf32>, vector<5000x128xf32> -> vector<5000x128xf32>
    %get3A_16 = arith.constant 0 : index
    %get3A_17 = arith.constant 0 : index
    %get3A_18 = vector.load %arg5[%get3A_16, %get3A_17] : memref<1x128xf32, #tpu.memory_space<vmem>>, vector<1x128xf32>
    %add3A_19 = vector.broadcast %get3A_18 : vector<1x128xf32> to vector<5000x128xf32>
    %add3A_20 = arith.addf %dot_general3A_15, %add3A_19 : vector<5000x128xf32>
    %integer_pow3A = arith.mulf %add3A_20, %add3A_20 : vector<5000x128xf32>
    %integer_pow3A_21 = arith.mulf %add3A_20, %integer_pow3A : vector<5000x128xf32>
    %mul3A = arith.constant 4.471500e-02 : f32
    %mul3A_22 = vector.broadcast %mul3A : f32 to vector<5000x128xf32>
    %mul3A_23 = arith.mulf %mul3A_22, %integer_pow3A_21 : vector<5000x128xf32>
    %add3A_24 = arith.addf %add3A_20, %mul3A_23 : vector<5000x128xf32>
    %mul3A_25 = arith.constant 0.797884583 : f32
    %mul3A_26 = vector.broadcast %mul3A_25 : f32 to vector<5000x128xf32>
    %mul3A_27 = arith.mulf %mul3A_26, %add3A_24 : vector<5000x128xf32>
    %tanh3A = math.tanh %mul3A_27 : vector<5000x128xf32>
    %add3A_28 = arith.constant 1.000000e+00 : f32
    %add3A_29 = vector.broadcast %add3A_28 : f32 to vector<5000x128xf32>
    %add3A_30 = arith.addf %add3A_29, %tanh3A : vector<5000x128xf32>
    %mul3A_31 = arith.constant 5.000000e-01 : f32
    %mul3A_32 = vector.broadcast %mul3A_31 : f32 to vector<5000x128xf32>
    %mul3A_33 = arith.mulf %mul3A_32, %add3A_30 : vector<5000x128xf32>
    %mul3A_34 = arith.mulf %add3A_20, %mul3A_33 : vector<5000x128xf32>
    %get3A_35 = arith.constant 0 : index
    %get3A_36 = arith.constant 0 : index
    %get3A_37 = vector.load %arg6[%get3A_35, %get3A_36] : memref<128x128xf32, #tpu.memory_space<vmem>>, vector<128x128xf32>
    %dot_general3A_38 = arith.constant dense<0.000000e+00> : vector<5000x128xf32>
    %dot_general3A_39 = tpu.matmul %mul3A_34, %get3A_37, %dot_general3A_38 {dimension_numbers = #tpu.dot_dimension_numbers<[1], [0], [0], [1], [0, 0, 1, 1], [], []>, transpose_lhs_hint = false} : vector<5000x128xf32>, vector<128x128xf32>, vector<5000x128xf32> -> vector<5000x128xf32>
    %get3A_40 = arith.constant 0 : index
    %get3A_41 = arith.constant 0 : index
    %get3A_42 = vector.load %arg7[%get3A_40, %get3A_41] : memref<1x128xf32, #tpu.memory_space<vmem>>, vector<1x128xf32>
    %add3A_43 = vector.broadcast %get3A_42 : vector<1x128xf32> to vector<5000x128xf32>
    %add3A_44 = arith.addf %dot_general3A_39, %add3A_43 : vector<5000x128xf32>
    %integer_pow3A_45 = arith.mulf %add3A_44, %add3A_44 : vector<5000x128xf32>
    %integer_pow3A_46 = arith.mulf %add3A_44, %integer_pow3A_45 : vector<5000x128xf32>
    %mul3A_47 = arith.constant 4.471500e-02 : f32
    %mul3A_48 = vector.broadcast %mul3A_47 : f32 to vector<5000x128xf32>
    %mul3A_49 = arith.mulf %mul3A_48, %integer_pow3A_46 : vector<5000x128xf32>
    %add3A_50 = arith.addf %add3A_44, %mul3A_49 : vector<5000x128xf32>
    %mul3A_51 = arith.constant 0.797884583 : f32
    %mul3A_52 = vector.broadcast %mul3A_51 : f32 to vector<5000x128xf32>
    %mul3A_53 = arith.mulf %mul3A_52, %add3A_50 : vector<5000x128xf32>
    %tanh3A_54 = math.tanh %mul3A_53 : vector<5000x128xf32>
    %add3A_55 = arith.constant 1.000000e+00 : f32
    %add3A_56 = vector.broadcast %add3A_55 : f32 to vector<5000x128xf32>
    %add3A_57 = arith.addf %add3A_56, %tanh3A_54 : vector<5000x128xf32>
    %mul3A_58 = arith.constant 5.000000e-01 : f32
    %mul3A_59 = vector.broadcast %mul3A_58 : f32 to vector<5000x128xf32>
    %mul3A_60 = arith.mulf %mul3A_59, %add3A_57 : vector<5000x128xf32>
    %mul3A_61 = arith.mulf %add3A_44, %mul3A_60 : vector<5000x128xf32>
    %swap3A = arith.constant 0 : index
    %swap3A_62 = arith.constant 0 : index
    %swap3A_63 = vector.load %arg8[%swap3A, %swap3A_62] : memref<5000x128xf32, #tpu.memory_space<vmem>>, vector<5000x128xf32>
    tpu.vector_store %arg8[%swap3A, %swap3A_62], %mul3A_61 {strides = array<i32>} : memref<5000x128xf32, #tpu.memory_space<vmem>>, vector<5000x128xf32>,
    return
  }
  func.func @transform_0(%arg0: i32) -> (i32, i32) {
    %c0_i32 = arith.constant 0 : i32
    %c0_i32_0 = arith.constant 0 : i32
    return %arg0, %c0_i32 : i32, i32
  }
  func.func @transform_1(%arg0: i32) -> (i32, i32, i32) {
    %c0_i32 = arith.constant 0 : i32
    %c0_i32_0 = arith.constant 0 : i32
    %c0_i32_1 = arith.constant 0 : i32
    return %c0_i32, %arg0, %c0_i32_0 : i32, i32, i32
  }
  func.func @transform_2(%arg0: i32) -> (i32, i32, i32) {
    %c1_i32 = arith.constant 1 : i32
    %c0_i32 = arith.constant 0 : i32
    %c0_i32_0 = arith.constant 0 : i32
    return %c1_i32, %arg0, %c0_i32 : i32, i32, i32
  }
  func.func @transform_3(%arg0: i32) -> (i32, i32) {
    %c0_i32 = arith.constant 0 : i32
    %c0_i32_0 = arith.constant 0 : i32
    %c0_i32_1 = arith.constant 0 : i32
    return %c0_i32, %c0_i32_0 : i32, i32
  }
  func.func @transform_4(%arg0: i32) -> (i32, i32) {
    %c0_i32 = arith.constant 0 : i32
    %c0_i32_0 = arith.constant 0 : i32
    %c0_i32_1 = arith.constant 0 : i32
    return %c0_i32, %c0_i32_0 : i32, i32
  }
  func.func @transform_5(%arg0: i32) -> (i32, i32) {
    %c0_i32 = arith.constant 0 : i32
    %c0_i32_0 = arith.constant 0 : i32
    %c0_i32_1 = arith.constant 0 : i32
    return %c0_i32, %c0_i32_0 : i32, i32
  }
  func.func @transform_6(%arg0: i32) -> (i32, i32) {
    %c0_i32 = arith.constant 0 : i32
    %c0_i32_0 = arith.constant 0 : i32
    %c0_i32_1 = arith.constant 0 : i32
    return %c0_i32, %c0_i32_0 : i32, i32
  }
  func.func @transform_7(%arg0: i32) -> (i32, i32) {
    %c0_i32 = arith.constant 0 : i32
    %c0_i32_0 = arith.constant 0 : i32
    return %arg0, %c0_i32 : i32, i32
  }
}

module attributes {stable_mosaic.version = 14 : i64} {
  func.func @_mlp_head_body(%arg0: i32, %arg1: memref<5000x128xf32, #tpu.memory_space<vmem>>, %arg2: memref<1x5000x128xf32, #tpu.memory_space<vmem>>, %arg3: memref<1x5000x128xf32, #tpu.memory_space<vmem>>, %arg4: memref<128x128xf32, #tpu.memory_space<vmem>>, %arg5: memref<1x128xf32, #tpu.memory_space<vmem>>, %arg6: memref<128x128xf32, #tpu.memory_space<vmem>>, %arg7: memref<1x128xf32, #tpu.memory_space<vmem>>, %arg8: memref<128x128xf32, #tpu.memory_space<vmem>>, %arg9: memref<1x128xf32, #tpu.memory_space<vmem>>, %arg10: memref<5000x128xf32, #tpu.memory_space<vmem>>) attributes {dimension_semantics = [#tpu.dimension_semantics<arbitrary>], iteration_bounds = array<i64: 2>, scalar_prefetch = 0 : i64, scratch_operands = 0 : i64, tpu.core_type = #tpu.core_type<tc>, window_params = [{transform_indices = @transform_0, window_bounds = array<i64: 5000, 128>}, {transform_indices = @transform_1, window_bounds = array<i64: 1, 5000, 128>}, {transform_indices = @transform_2, window_bounds = array<i64: 1, 5000, 128>}, {pipeline_mode = #tpu.pipeline_mode<synchronous>, transform_indices = @transform_3, window_bounds = array<i64: 128, 128>}, {pipeline_mode = #tpu.pipeline_mode<synchronous>, transform_indices = @transform_4, window_bounds = array<i64: 1, 128>}, {pipeline_mode = #tpu.pipeline_mode<synchronous>, transform_indices = @transform_5, window_bounds = array<i64: 128, 128>}, {pipeline_mode = #tpu.pipeline_mode<synchronous>, transform_indices = @transform_6, window_bounds = array<i64: 1, 128>}, {pipeline_mode = #tpu.pipeline_mode<synchronous>, transform_indices = @transform_7, window_bounds = array<i64: 128, 128>}, {pipeline_mode = #tpu.pipeline_mode<synchronous>, transform_indices = @transform_8, window_bounds = array<i64: 1, 128>}, {transform_indices = @transform_9, window_bounds = array<i64: 5000, 128>}]} {
    %get3A = arith.constant 0 : index
    %get3A_0 = arith.constant 0 : index
    %get3A_1 = vector.load %arg1[%get3A, %get3A_0] : memref<5000x128xf32, #tpu.memory_space<vmem>>, vector<5000x128xf32>
    %get3A_2 = arith.constant 0 : index
    %get3A_3 = arith.constant 0 : index
    %get3A_4 = arith.constant 0 : index
    %get3A_5 = vector.load %arg2[%get3A_2, %get3A_3, %get3A_4] : memref<1x5000x128xf32, #tpu.memory_space<vmem>>, vector<1x5000x128xf32>
    %reshape3A = vector.shape_cast %get3A_5 : vector<1x5000x128xf32> to vector<5000x128xf32>
    %add3A = arith.addf %get3A_1, %reshape3A : vector<5000x128xf32>
    %get3A_6 = arith.constant 0 : index
    %get3A_7 = arith.constant 0 : index
    %get3A_8 = arith.constant 0 : index
    %get3A_9 = vector.load %arg3[%get3A_6, %get3A_7, %get3A_8] : memref<1x5000x128xf32, #tpu.memory_space<vmem>>, vector<1x5000x128xf32>
    %reshape3A_10 = vector.shape_cast %get3A_9 : vector<1x5000x128xf32> to vector<5000x128xf32>
    %add3A_11 = arith.addf %add3A, %reshape3A_10 : vector<5000x128xf32>
    %get3A_12 = arith.constant 0 : index
    %get3A_13 = arith.constant 0 : index
    %get3A_14 = vector.load %arg4[%get3A_12, %get3A_13] : memref<128x128xf32, #tpu.memory_space<vmem>>, vector<128x128xf32>
    %dot_general3A = arith.constant dense<0.000000e+00> : vector<5000x128xf32>
    %dot_general3A_15 = tpu.matmul %add3A_11, %get3A_14, %dot_general3A {dimension_numbers = #tpu.dot_dimension_numbers<[1], [0], [0], [1], [0, 0, 1, 1], [], []>, transpose_lhs_hint = false} : vector<5000x128xf32>, vector<128x128xf32>, vector<5000x128xf32> -> vector<5000x128xf32>
    %get3A_16 = arith.constant 0 : index
    %get3A_17 = arith.constant 0 : index
    %get3A_18 = vector.load %arg5[%get3A_16, %get3A_17] : memref<1x128xf32, #tpu.memory_space<vmem>>, vector<1x128xf32>
    %add3A_19 = vector.broadcast %get3A_18 : vector<1x128xf32> to vector<5000x128xf32>
    %add3A_20 = arith.addf %dot_general3A_15, %add3A_19 : vector<5000x128xf32>
    %integer_pow3A = arith.mulf %add3A_20, %add3A_20 : vector<5000x128xf32>
    %integer_pow3A_21 = arith.mulf %add3A_20, %integer_pow3A : vector<5000x128xf32>
    %mul3A = arith.constant 4.471500e-02 : f32
    %mul3A_22 = vector.broadcast %mul3A : f32 to vector<5000x128xf32>
    %mul3A_23 = arith.mulf %mul3A_22, %integer_pow3A_21 : vector<5000x128xf32>
    %add3A_24 = arith.addf %add3A_20, %mul3A_23 : vector<5000x128xf32>
    %mul3A_25 = arith.constant 0.797884583 : f32
    %mul3A_26 = vector.broadcast %mul3A_25 : f32 to vector<5000x128xf32>
    %mul3A_27 = arith.mulf %mul3A_26, %add3A_24 : vector<5000x128xf32>
    %tanh3A = math.tanh %mul3A_27 : vector<5000x128xf32>
    %add3A_28 = arith.constant 1.000000e+00 : f32
    %add3A_29 = vector.broadcast %add3A_28 : f32 to vector<5000x128xf32>
    %add3A_30 = arith.addf %add3A_29, %tanh3A : vector<5000x128xf32>
    %mul3A_31 = arith.constant 5.000000e-01 : f32
    %mul3A_32 = vector.broadcast %mul3A_31 : f32 to vector<5000x128xf32>
    %mul3A_33 = arith.mulf %mul3A_32, %add3A_30 : vector<5000x128xf32>
    %mul3A_34 = arith.mulf %add3A_20, %mul3A_33 : vector<5000x128xf32>
    %get3A_35 = arith.constant 0 : index
    %get3A_36 = arith.constant 0 : index
    %get3A_37 = vector.load %arg6[%get3A_35, %get3A_36] : memref<128x128xf32, #tpu.memory_space<vmem>>, vector<128x128xf32>
    %dot_general3A_38 = arith.constant dense<0.000000e+00> : vector<5000x128xf32>
    %dot_general3A_39 = tpu.matmul %mul3A_34, %get3A_37, %dot_general3A_38 {dimension_numbers = #tpu.dot_dimension_numbers<[1], [0], [0], [1], [0, 0, 1, 1], [], []>, transpose_lhs_hint = false} : vector<5000x128xf32>, vector<128x128xf32>, vector<5000x128xf32> -> vector<5000x128xf32>
    %get3A_40 = arith.constant 0 : index
    %get3A_41 = arith.constant 0 : index
    %get3A_42 = vector.load %arg7[%get3A_40, %get3A_41] : memref<1x128xf32, #tpu.memory_space<vmem>>, vector<1x128xf32>
    %add3A_43 = vector.broadcast %get3A_42 : vector<1x128xf32> to vector<5000x128xf32>
    %add3A_44 = arith.addf %dot_general3A_39, %add3A_43 : vector<5000x128xf32>
    %integer_pow3A_45 = arith.mulf %add3A_44, %add3A_44 : vector<5000x128xf32>
    %integer_pow3A_46 = arith.mulf %add3A_44, %integer_pow3A_45 : vector<5000x128xf32>
    %mul3A_47 = arith.constant 4.471500e-02 : f32
    %mul3A_48 = vector.broadcast %mul3A_47 : f32 to vector<5000x128xf32>
    %mul3A_49 = arith.mulf %mul3A_48, %integer_pow3A_46 : vector<5000x128xf32>
    %add3A_50 = arith.addf %add3A_44, %mul3A_49 : vector<5000x128xf32>
    %mul3A_51 = arith.constant 0.797884583 : f32
    %mul3A_52 = vector.broadcast %mul3A_51 : f32 to vector<5000x128xf32>
    %mul3A_53 = arith.mulf %mul3A_52, %add3A_50 : vector<5000x128xf32>
    %tanh3A_54 = math.tanh %mul3A_53 : vector<5000x128xf32>
    %add3A_55 = arith.constant 1.000000e+00 : f32
    %add3A_56 = vector.broadcast %add3A_55 : f32 to vector<5000x128xf32>
    %add3A_57 = arith.addf %add3A_56, %tanh3A_54 : vector<5000x128xf32>
    %mul3A_58 = arith.constant 5.000000e-01 : f32
    %mul3A_59 = vector.broadcast %mul3A_58 : f32 to vector<5000x128xf32>
    %mul3A_60 = arith.mulf %mul3A_59, %add3A_57 : vector<5000x128xf32>
    %mul3A_61 = arith.mulf %add3A_44, %mul3A_60 : vector<5000x128xf32>
    %get3A_62 = arith.constant 0 : index
    %get3A_63 = arith.constant 0 : index
    %get3A_64 = vector.load %arg8[%get3A_62, %get3A_63] : memref<128x128xf32, #tpu.memory_space<vmem>>, vector<128x128xf32>
    %dot_general3A_65 = arith.constant dense<0.000000e+00> : vector<5000x128xf32>
    %dot_general3A_66 = tpu.matmul %mul3A_61, %get3A_64, %dot_general3A_65 {dimension_numbers = #tpu.dot_dimension_numbers<[1], [0], [0], [1], [0, 0, 1, 1], [], []>, transpose_lhs_hint = false} : vector<5000x128xf32>, vector<128x128xf32>, vector<5000x128xf32> -> vector<5000x128xf32>
    %get3A_67 = arith.constant 0 : index
    %get3A_68 = arith.constant 0 : index
    %get3A_69 = vector.load %arg9[%get3A_67, %get3A_68] : memref<1x128xf32, #tpu.memory_space<vmem>>, vector<1x128xf32>
    %add3A_70 = vector.broadcast %get3A_69 : vector<1x128xf32> to vector<5000x128xf32>
    %add3A_71 = arith.addf %dot_general3A_66, %add3A_70 : vector<5000x128xf32>
    %swap3A = arith.constant 0 : index
    %swap3A_72 = arith.constant 0 : index
    %swap3A_73 = vector.load %arg10[%swap3A, %swap3A_72] : memref<5000x128xf32, #tpu.memory_space<vmem>>, vector<5000x128xf32>
    tpu.vector_store %arg10[%swap3A, %swap3A_72], %add3A_71 {strides = array<i32>} : memref<5000x128xf32, #tpu.memory_space<vmem>>, vector<5000x128xf32>,
    return
  }
  func.func @transform_0(%arg0: i32) -> (i32, i32) {
    %c0_i32 = arith.constant 0 : i32
    %c0_i32_0 = arith.constant 0 : i32
    return %arg0, %c0_i32 : i32, i32
  }
  func.func @transform_1(%arg0: i32) -> (i32, i32, i32) {
    %c0_i32 = arith.constant 0 : i32
    %c0_i32_0 = arith.constant 0 : i32
    %c0_i32_1 = arith.constant 0 : i32
    return %c0_i32, %arg0, %c0_i32_0 : i32, i32, i32
  }
  func.func @transform_2(%arg0: i32) -> (i32, i32, i32) {
    %c1_i32 = arith.constant 1 : i32
    %c0_i32 = arith.constant 0 : i32
    %c0_i32_0 = arith.constant 0 : i32
    return %c1_i32, %arg0, %c0_i32 : i32, i32, i32
  }
  func.func @transform_3(%arg0: i32) -> (i32, i32) {
    %c0_i32 = arith.constant 0 : i32
    %c0_i32_0 = arith.constant 0 : i32
    %c0_i32_1 = arith.constant 0 : i32
    return %c0_i32, %c0_i32_0 : i32, i32
  }
  func.func @transform_4(%arg0: i32) -> (i32, i32) {
    %c0_i32 = arith.constant 0 : i32
    %c0_i32_0 = arith.constant 0 : i32
    %c0_i32_1 = arith.constant 0 : i32
    return %c0_i32, %c0_i32_0 : i32, i32
  }
  func.func @transform_5(%arg0: i32) -> (i32, i32) {
    %c0_i32 = arith.constant 0 : i32
    %c0_i32_0 = arith.constant 0 : i32
    %c0_i32_1 = arith.constant 0 : i32
    return %c0_i32, %c0_i32_0 : i32, i32
  }
  func.func @transform_6(%arg0: i32) -> (i32, i32) {
    %c0_i32 = arith.constant 0 : i32
    %c0_i32_0 = arith.constant 0 : i32
    %c0_i32_1 = arith.constant 0 : i32
    return %c0_i32, %c0_i32_0 : i32, i32
  }
  func.func @transform_7(%arg0: i32) -> (i32, i32) {
    %c0_i32 = arith.constant 0 : i32
    %c0_i32_0 = arith.constant 0 : i32
    %c0_i32_1 = arith.constant 0 : i32
    return %c0_i32, %c0_i32_0 : i32, i32
  }
  func.func @transform_8(%arg0: i32) -> (i32, i32) {
    %c0_i32 = arith.constant 0 : i32
    %c0_i32_0 = arith.constant 0 : i32
    %c0_i32_1 = arith.constant 0 : i32
    return %c0_i32, %c0_i32_0 : i32, i32
  }
  func.func @transform_9(%arg0: i32) -> (i32, i32) {
    %c0_i32 = arith.constant 0 : i32
    %c0_i32_0 = arith.constant 0 : i32
    return %arg0, %c0_i32 : i32, i32
  }
}

</mosaic_0001>

<sc_bundles>
// kernel: kernel.6.cloned.1.call-start
scs
__scs_entry_jumppad:
0x0: {  	(pc) =	sbr.rel $0x88, $3  }
0x1: {  	(tag) =	ssettag $0x0;
	lr =	simm.s32 $0x1  }
0x2: {  	[smem:$0x3F95] =	sst lr;
	_ =	strace $0xD0000000  }
0x3: {  	_ = 	snop  }
0x4: {  	_ = 	snop  }
0x5: {  	_ = 	snop  }
0x6: {  	_ = 	snop  }
0x7: {  	_ = 	snop  }
__scs_overlays_trampoline_lowered:
0x8: {  	[smem:$0x3FA4] =	sst s0  }
0x9: {  	[smem:$0x3FA5] =	sst s1  }
0xa: {  	[smem:$0x3FA6] =	sst s2  }
0xb: {  	[smem:$0x3FA7] =	sst s3  }
0xc: {  	[smem:$0x3FA8] =	sst s4  }
0xd: {  	[smem:$0x3FA9] =	sst s5  }
0xe: {  	[smem:$0x3FAA] =	sst s6  }
0xf: {  	[smem:$0x3FAB] =	sst s7  }
0x10: {  	[smem:$0x3FAC] =	sst s8  }
0x11: {  	[smem:$0x3FAD] =	sst s9;
	s0 =	simm.s32 @!p0 $0x0  }
0x12: {  	s1 =	sld [smem:$0x3F93];
	s0 =	simm.s32 @p0 $0x1  }
0x13: {  	[smem:$0x3FAE] =	sst s0;
	s0 =	simm.s32 @!p1 $0x0  }
0x14: {  	s2 =	sld [smem:$0x3F92];
	s0 =	simm.s32 @p1 $0x1  }
0x15: {  	[smem:$0x3FAF] =	sst s0;
	s0 =	simm.s32 @!p2 $0x0  }
0x16: {  	s3 =	sld [smem:$0x3FDB];
	s0 =	simm.s32 @p2 $0x1  }
0x17: {  	s4 =	simm.s32 $0x1BF5;
	[smem:$0x3FB1] =	sst s0  }
0x18: {  	s0 =	sld [smem:$0x3F94];
	_ =	swait.ge [sflag:s4], $0x0  }
0x19: {  	s7 =	sld [smem:$0x3F95]  }
0x1a: {  	s8 =	sadd.s32 $0xFFFFE003, lr  }
0x1b: {  	s9 =	sadd.s32 $0xFFFFFEF7, lr;
	s5 =	simm.s32 $0xFFFFFFFF;
	p2 =	slt.u32 s8, $0xFFFFF086  }
0x1c: {  	p1 =	slt.u32 s9, $0xF7A;
	s5 =	simm.s32 @!p2 $0x0  }
0x1d: {  	s5 =	simm.s32 @p1 $0x1;
	p0 =	seq.s32 s7, s2  }
0x1e: {  	s7 =	smul.u32 @!p0 $0xF7A, s2;
	p2 =	seq.s32 @!p0 s5, $0x0  }
0x1f: {  	s9 =	smul.u32 $0xF7A, s1;
	s8 =	simm.s32 @!p0 $0x1BF5;
	p2 =	por !p2, p0  }
0x20: {  	[sflag:s8] =	ssyncset.s32 @!p0 $0xFFFFF086;
	s6 =	sadd.s32 @!p0 s3, s7;
	s7 =	simm.s32 @!p0 $0x108  }
0x21: {  	s3 =	sadd.s32 s3, s9;
	s6 =	sadd.s32 @!p0 $0x88, s6;
	s7 =	simm.s32 @p2 $0x1082  }
0x22: {  	[simem:s7], [sflag:s8] =	dma.local @!p0 [hbm:s6], $0xF7A  }
0x23: {  	s9 =	sor.u32 $0xD0000000, s2;
	s6 =	simm.s32 $0x108;
	_ =	swait.ge @!p0 [sflag:s8], $0x0  }
0x24: {  	s3 =	sadd.s32 $0x88, s3;
	s6 =	simm.s32 @!p1 $0x1082;
	[sflag:s4] =	ssyncset.s32 $0xFFFFF086  }
0x25: {  	[simem:s6], [sflag:s4] =	dma.local [hbm:s3], $0xF7A  }
0x26: {  	[smem:$0x3F95] =	sst s1;
	(tag) =	ssettag s2;
	_ =	strace s9  }
0x27: {  	s1 =	sld [smem:$0x3FA5]  }
0x28: {  	s2 =	sld [smem:$0x3FA6]  }
0x29: {  	s4 =	sld [smem:$0x3FA8]  }
0x2a: {  	p0 =	seq.s32 s5, $0x0;
	s5 =	sld [smem:$0x3FA9]  }
0x2b: {  	s6 =	sld [smem:$0x3FAA]  }
0x2c: {  	s7 =	sld [smem:$0x3FAB]  }
0x2d: {  	s3 =	simm.s32 $0x108;
	s8 =	sld [smem:$0x3FAC]  }
0x2e: {  	s3 =	simm.s32 @!p0 $0x1082;
	s9 =	sld [smem:$0x3FAD]  }
0x2f: {  	lr =	sadd.s32 s0, s3;
	s0 =	sld [smem:$0x3FA4]  }
0x30: {  	s3 =	sld [smem:$0x3FA7]  }
0x31: {  	[smem:$0x3FB0] =	sst s10  }
0x32: {  	s10 =	sld [smem:$0x3FAE];
	_ =	sdelay $0x3  }
0x33: {  	p0 =	seq.s32 s10, $0x1;
	s10 =	sld [smem:$0x3FB0];
	_ =	sdelay $0x3  }
0x34: {  	[smem:$0x3FB0] =	sst s10  }
0x35: {  	s10 =	sld [smem:$0x3FAF];
	_ =	sdelay $0x3  }
0x36: {  	p1 =	seq.s32 s10, $0x1;
	s10 =	sld [smem:$0x3FB0];
	_ =	sdelay $0x3  }
0x37: {  	[smem:$0x3FB0] =	sst s10  }
0x38: {  	s10 =	sld [smem:$0x3FB1]  }
0x39: {  	_ = 	snop;
	(pc) =	sbr.ind lr, $3  }
0x3a: {  	_ = 	snop  }
0x3b: {  	_ = 	snop  }
0x3c: {  	p2 =	seq.s32 s10, $0x1;
	s10 =	sld [smem:$0x3FB0]  }
0x3d: {  	_ =	shalt  }
0x3e: {  	_ =	shalt  }
0x3f: {  	_ =	shalt  }
0x40: {  	_ =	shalt  }
0x41: {  	_ =	shalt  }
0x42: {  	_ =	shalt  }
0x43: {  	_ =	shalt  }
0x44: {  	_ =	shalt  }
0x45: {  	_ =	shalt  }
0x46: {  	_ =	shalt  }
0x47: {  	_ =	shalt  }
0x48: {  	_ =	shalt  }
0x49: {  	_ =	shalt  }
0x4a: {  	_ =	shalt  }
0x4b: {  	_ =	shalt  }
0x4c: {  	_ =	shalt  }
0x4d: {  	_ =	shalt  }
0x4e: {  	_ =	shalt  }
0x4f: {  	_ =	shalt  }
0x50: {  	_ =	shalt  }
0x51: {  	_ =	shalt  }
0x52: {  	_ =	shalt  }
0x53: {  	_ =	shalt  }
0x54: {  	_ =	shalt  }
0x55: {  	_ =	shalt  }
0x56: {  	_ =	shalt  }
0x57: {  	_ =	shalt  }
0x58: {  	_ =	shalt  }
0x59: {  	_ =	shalt  }
0x5a: {  	_ =	shalt  }
0x5b: {  	_ =	shalt  }
0x5c: {  	_ =	shalt  }
0x5d: {  	_ =	shalt  }
0x5e: {  	_ =	shalt  }
0x5f: {  	_ =	shalt  }
0x60: {  	_ =	shalt  }
0x61: {  	_ =	shalt  }
0x62: {  	_ =	shalt  }
0x63: {  	_ =	shalt  }
0x64: {  	_ =	shalt  }
0x65: {  	_ =	shalt  }
0x66: {  	_ =	shalt  }
0x67: {  	_ =	shalt  }
0x68: {  	_ =	shalt  }
0x69: {  	_ =	shalt  }
0x6a: {  	_ =	shalt  }
0x6b: {  	_ =	shalt  }
0x6c: {  	_ =	shalt  }
0x6d: {  	_ =	shalt  }
0x6e: {  	_ =	shalt  }
0x6f: {  	_ =	shalt  }
0x70: {  	_ =	shalt  }
0x71: {  	_ =	shalt  }
0x72: {  	_ =	shalt  }
0x73: {  	_ =	shalt  }
0x74: {  	_ =	shalt  }
0x75: {  	_ =	shalt  }
0x76: {  	_ =	shalt  }
0x77: {  	_ =	shalt  }
0x78: {  	_ =	shalt  }
0x79: {  	_ =	shalt  }
0x7a: {  	_ =	shalt  }
0x7b: {  	_ =	shalt  }
0x7c: {  	_ =	shalt  }
0x7d: {  	_ =	shalt  }
0x7e: {  	_ =	shalt  }
0x7f: {  	_ =	shalt  }
0x80: {  	_ =	shalt  }
0x81: {  	_ =	shalt  }
0x82: {  	_ =	shalt  }
0x83: {  	_ =	shalt  }
0x84: {  	_ =	shalt  }
0x85: {  	_ =	shalt  }
0x86: {  	_ =	shalt  }
0x87: {  	_ =	shalt  }
.Lfunc_end0:
.L_simem_size_0:
called_computation_lowered:
.L_overlay_start_0:
0x88: {  	s2 =	sld [smem:$0x3FD9]  }
0x89: {  	s3 =	sld [smem:$0x3FFE];
	_ =	sdelay $0x1  }
0x8a: {  	s1 =	srdreg.scid  }
0x8b: {  	s0 =	sand.u32 $0x1, s1  }
0x8c: {  	s17 =	sshll.u32 s0, $0xA;
	s2 =	sadd.s32 s3, s2  }
0x8d: {  	s2 =	sadd.s32 s2, s17  }
0x8e: {  	[smem:$0x3FBC] =	sst s2  }
0x8f: {  	_ = 	snop  }
0x90: {  	s2 =	sld [smem:$0x3FC9];
	(tm) =	ssettm $0x1  }
0x91: {  	s18 =	sld [smem:$0x3FFB];
	_ =	sdelay $0x3  }
0x92: {  	_ =	strace s18  }
0x93: {  	s3 =	sld [smem:$0x3FFC];
	_ =	sdelay $0x3  }
0x94: {  	_ =	strace s3  }
0x95: {  	s3 =	sld [smem:$0x3FFD];
	_ =	sdelay $0x3  }
0x96: {  	_ =	strace s3  }
0x97: {  	_ =	strace $0x8FFFFFFF  }
0x98: {  	s19 =	sld [smem:$0x3FDB];
	_ =	sdelay $0x1  }
0x99: {  	s4 =	simm.s32 $_scs_section_size  }
0x9a: {  	s5 =	simm.s32 $_size__tile_overlayer_lowered;
	s6 =	simm.s32 $_tile_overlayer_lowered  }
0x9b: {  	s22 =	simm.s32 $0x1BFF;
	s21 =	sshll.u32 s6, $0x1;
	s3 =	sadd.s32 s4, s19  }
0x9c: {  	s7 =	simm.s32 $0x0;
	s20 =	sshll.u32 s5, $0x1;
	s5 =	sadd.s32 s21, s3  }
0x9d: {  	[timem:s7], [sflag:s22] =	dma.local [hbm:s5], s20  }
0x9e: {  	_ =	swait.ge [sflag:s22], s20  }
0x9f: {  	s4 =	ssub.s32 $0x0, s20;
	[sflag:s22] =	ssyncset.done $0x0  }
0xa0: {  	[sflag:s22] =	ssyncadd.s32 s4;
	_ =	sdelay $0x1  }
0xa1: {  	s23 =	simm.s32 $0x1B8B  }
0xa2: {  	_ =	swait.ge [sflag:s23], $0x1  }
0xa3: {  	[sflag:s23] =	ssyncset.done $0x0  }
0xa4: {  	s25 =	simm.s32 $0x1B8E;
	s24 =	sld [smem:$0x3FFE];
	[sflag:s23] =	ssyncadd.s32 $0xFFFFFFFF  }
0xa5: {  	s26 =	simm.s32 $execute0_lowered;
	[smem:$0x3FD2] =	sst s25  }
0xa6: {  	s5 =	sshll.u32 s26, $0x1;
	_ =	strace $0x80000046;
	[dreg:$0x1] =	wrdreg $0xFFFFFFFF  }
0xa7: {  	s28 =	simm.s32 $_size_execute0_lowered;
	s3 =	sadd.s32 s3, s5;
	[dreg:$0x0] =	wrdreg $0x0  }
0xa8: {  	s5 =	sshll.u32 s28, $0x1;
	[dreg:$0x2] =	wrdreg s3  }
0xa9: {  	[dreg:$0x3] =	wrdreg s5  }
0xaa: {  	[dreg:$0x4] =	wrdreg $0xC0  }
0xab: {  	_ =	task [dreg:s7], $0x5FFFF  }
0xac: {  	[dreg:$0x1] =	wrdreg $0xFFFFFFFF  }
0xad: {  	[dreg:$0x0] =	wrdreg $0x60  }
0xae: {  	[dreg:$0x2] =	wrdreg s2  }
0xaf: {  	[dreg:$0x3] =	wrdreg s24  }
0xb0: {  	[dreg:$0x4] =	wrdreg $0x90000  }
0xb1: {  	[dreg:$0x5] =	wrdreg $0x9  }
0xb2: {  	_ =	task.clear_ibuf [dreg:s7], $0x6FFFF;
	_ =	strace $0x90000046  }
0xb3: {  	s29 =	simm.s32 $0x9;
	_ =	strace $0x80000048  }
0xb4: {  	_ =	swait.ge [sflag:s29], $0x1  }
0xb5: {  	[sflag:s29] =	ssyncadd.s32 $0xFFFFFFFF  }
0xb6: {  	_ =	strace $0x90000048  }
0xb7: {  	_ =	sfence  }
0xb8: {  	s30 =	sld [smem:$0x0];
	_ =	sdelay $0x2  }
0xb9: {  	s31 =	sshll.u32 s1, $0xD;
	s1 =	sshrl.u32 s1, $0x2  }
0xba: {  	s3 =	sand.u32 $0x4000, s31;
	s1 =	sadd.s32 s1, s30  }
0xbb: {  	s0 =	sor.u32 s3, s0;
	s1 =	sshll.u32 s1, $0x11  }
0xbc: {  	s0 =	sor.u32 s1, s0  }
0xbd: {  	s0 =	sadd.s32 $0x8F2B, s0  }
0xbe: {  	[sflag:s0] =	ssyncadd.remote.s32 $0x1  }
0xbf: {  	_ =	sfence.sel $0xFFFF  }
0xc0: {  	[dreg:$0x0] =	wrdreg $0xFFFFFFFF;
	(pc) =	sbr.abs _section_cstart, $3  }
0xc1: {  	[dreg:$0x1] =	wrdreg $0xFFFFFFFF  }
0xc2: {  	_ =	task.clear_ibuf [dreg:s7], $0x2FFFF;
	_ =	strace $0x9FFFFFFF  }
0xc3: {  	(tm) =	ssettm $0x7FFFFFFF  }
tec
execute0_lowered:
.L_overlay_start_1:
0x0: {  	(tag) =	ssettag $0x1  }
0x1: {  	s1 =	rddreg [dreg:$0x0]  }
0x2: {  	s5 =	rddreg [dreg:$0x1]  }
0x3: {  	s3 =	rddreg [dreg:$0x2];
	s4 =	srdreg.scid  }
0x4: {  	s0 =	rddreg [dreg:$0x3];
	s2 =	stileid.u32  }
0x5: {  	s14 =	simm.s32 $0x2800;
	s15 =	simm.s32 $0x1;
	s16 =	simm.s32 $0x5000  }
0x6: {  	s17 =	simm.s32 $0x2;
	s18 =	simm.s32 $0x80;
	s21 =	simm.s32 $0x0  }
0x7: {  	s6 =	sand.u32 $0x1, s4;
	s4 =	simm.s32 $0x0;
	s9 =	smul.u32 $0x13C00, s2  }
0x8: {  	s7 =	sshll.u32 s2, $0x1;
	s30 =	smul.u32 $0x4F000, s2;
	s19 =	sshll.u32 s2, $0x6  }
0x9: {  	s8 =	smul.u32 $0x13C000, s6;
	[smem:$0x7FF] =	sst s4;
	s7 =	sor.u32 s6, s7  }
0xa: {  	s6 =	ssub.s32 $0x2, s6;
	s19 =	sor.u32 $0x1C02, s19;
	_ =	strace $0x80000047  }
0xb: {  	s7 =	smul.u32 $0x500, s7;
	s10 =	sshrl.u32 s6, $0x1;
	s8 =	sadd.s32 s9, s8  }
0xc: {  	s31 =	sshrl.u32 s30, $0x2;
	s13 =	ssub.s32 s6, s10;
	s8 =	sshrl.u32 s8, $0x3  }
0xd: {  	s7 =	sadd.s32 s7, s5;
	s13 =	smax.u32 s13, $0x1;
	s12 =	sadd.s32 s8, s5  }
0xe: {  	s5 =	sadd.s32 $0xC400, s7;
	s6 =	sadd.s32 $0x2400, s7;
	s7 =	sadd.s32 s31, s3  }
0xf: {  	s8 =	sadd.s32 $0x4000, s7;
	s9 =	sadd.s32 $0x8000, s7;
	s10 =	sadd.s32 $0xC000, s7  }
0x10: {  	v0 =	vimm.f32 $0.0e+00;
	s11 =	sadd.s32 $0x10000, s7;
	s12 =	sadd.s32 $0x16400, s12;
	s20 =	sshrl.u32 s7, $0x3  }
.LBB2_1:
0x11: {  	[tilespmem:s4], [sflag:$0x1] =	stream.linear.gather [hbm4b:s5+s4], $0x2780, $0x38;
	[tilespmem:$0x1CC00] =	vst v63  }
0x12: {  	s22 =	simm.s32 $0x0;
	s23 =	simm.s32 $0x200  }
0x13: {  	[tilespmem:s14], [sflag:$0x1] =	stream.linear.gather [hbm4b:s6+s4], $0x2780, $0x38;
	[tilespmem:$0x1CC00] =	vst v63  }
.LBB2_2:
0x14: {  	p0 =	sne.s32 s23, $0xFE00;
	[tilespmem:s22+$0x5070] =	vst v0  }
0x15: {  	[tilespmem:s22+$0x5000] =	vst v0  }
0x16: {  	[tilespmem:s22+$0x5010] =	vst v0  }
.Ltmp0:
0x17: {  	[tilespmem:s22+$0x5020] =	vst v0;
	(pc) =	sbr.rel @p0 .LBB2_2-.Ltmp0, $4  }
0x18: {  	[tilespmem:s22+$0x5030] =	vst v0  }
0x19: {  	[tilespmem:s22+$0x5040] =	vst v0  }
0x1a: {  	[tilespmem:s22+$0x5050] =	vst v0  }
0x1b: {  	[tilespmem:s22+$0x5060] =	vst v0;
	s22 =	sshra.s32 s23, $0x2;
	s23 =	sadd.s32 $0x200, s23  }
0x1c: {  	[tilespmem:s22+$0x5070] =	vst v0  }
0x1d: {  	[tilespmem:s22+$0x5000] =	vst v0  }
0x1e: {  	[tilespmem:s22+$0x5010] =	vst v0  }
0x1f: {  	[tilespmem:s22+$0x5020] =	vst v0  }
0x20: {  	[tilespmem:s22+$0x5030] =	vst v0  }
0x21: {  	[tilespmem:s22+$0x5040] =	vst v0  }
0x22: {  	[tilespmem:s22+$0x5050] =	vst v0  }
0x23: {  	[tilespmem:s22+$0x5060] =	vst v0  }
0x24: {  	_ =	swait.ge [sflag:s15], $0x2780  }
0x25: {  	[sflag:s15] =	ssyncset.done $0x0  }
0x26: {  	[sflag:s15] =	ssyncadd.s32 $0xFFFFD880  }
0x27: {  	_ =	swait.ge [sflag:s15], $0x2780  }
0x28: {  	[sflag:s15] =	ssyncset.done $0x0  }
0x29: {  	[sflag:s15] =	ssyncadd.s32 $0xFFFFD880  }
0x2a: {  	[spmem:s7] =	stream.linear.scatter [tilespmem:s16], [sflag:$0x2], $0x4000, $0x38;
	[tilespmem:$0x1CC00] =	vst v63  }
0x2b: {  	_ =	swait.ge [sflag:s17], $0x4000  }
0x2c: {  	[sflag:s17] =	ssyncset.done $0x0  }
0x2d: {  	[sflag:s17] =	ssyncadd.s32 $0xFFFFC000  }
0x2e: {  	[spmem:s8] =	stream.linear.scatter [tilespmem:s16], [sflag:$0x2], $0x4000, $0x38;
	[tilespmem:$0x1CC00] =	vst v63  }
0x2f: {  	_ =	swait.ge [sflag:s17], $0x4000  }
0x30: {  	[sflag:s17] =	ssyncset.done $0x0  }
0x31: {  	[sflag:s17] =	ssyncadd.s32 $0xFFFFC000  }
0x32: {  	[spmem:s9] =	stream.linear.scatter [tilespmem:s16], [sflag:$0x2], $0x4000, $0x38;
	[tilespmem:$0x1CC00] =	vst v63  }
0x33: {  	_ =	swait.ge [sflag:s17], $0x4000  }
0x34: {  	[sflag:s17] =	ssyncset.done $0x0  }
0x35: {  	[sflag:s17] =	ssyncadd.s32 $0xFFFFC000  }
0x36: {  	[spmem:s10] =	stream.linear.scatter [tilespmem:s16], [sflag:$0x2], $0x4000, $0x38;
	[tilespmem:$0x1CC00] =	vst v63  }
0x37: {  	_ =	swait.ge [sflag:s17], $0x4000  }
0x38: {  	[sflag:s17] =	ssyncset.done $0x0  }
0x39: {  	[sflag:s17] =	ssyncadd.s32 $0xFFFFC000  }
0x3a: {  	[spmem:s11] =	stream.linear.scatter [tilespmem:s16], [sflag:$0x2], $0x3C00, $0x38;
	[tilespmem:$0x1CC00] =	vst v63  }
0x3b: {  	_ =	swait.ge [sflag:s17], $0x3C00  }
0x3c: {  	[sflag:s17] =	ssyncset.done $0x0  }
0x3d: {  	[sflag:s17] =	ssyncadd.s32 $0xFFFFC400  }
0x3e: {  	s30 =	simm.s32 $0x0;
	[bflag:$0x0] =	sbarrier.arrive $0xFFFF  }
0x3f: {  	[tilespmem:s16], [sflag:$0x1] =	stream.indirect.gather [hbm4b:s1+s18], $0x80, s30, s18, $0xb8;
	[tilespmem:$0x1CC00] =	vst v63  }
0x40: {  	_ =	swait.ge [sflag:s15], $0x4000  }
0x41: {  	[sflag:s15] =	ssyncset.done $0x0  }
0x42: {  	s31 =	simm.s32 $0x2800;
	[sflag:s15] =	ssyncadd.s32 $0xFFFFC000  }
0x43: {  	[spmem:s3] =	stream.indirect.scatter.add.f32 [tilespmem:s16], [sflag:$0x2], $0x80, s31, s18, $0xb8;
	[tilespmem:$0x1CC00] =	vst v63  }
0x44: {  	_ =	swait.ge [sflag:s17], $0x4000  }
0x45: {  	s22 =	simm.s32 $0x200;
	s23 =	simm.s32 $0x400;
	[sflag:s17] =	ssyncset.done $0x0  }
.LBB2_4:
0x46: {  	s24 =	sshra.s32 s22, $0x2  }
0x47: {  	[sflag:s17] =	ssyncadd.s32 $0xFFFFC000;
	s22 =	smov.u32 s23;
	s25 =	sadd.s32 $0x200, s23  }
0x48: {  	[tilespmem:s16], [sflag:$0x1] =	stream.indirect.gather [hbm4b:s1+s18], $0x80, s24, s18, $0xb8;
	[tilespmem:$0x1CC00] =	vst v63  }
0x49: {  	p0 =	sne.s32 s23, $0x9C00;
	_ =	swait.ge [sflag:s15], $0x4000  }
.Ltmp1:
0x4a: {  	[sflag:s15] =	ssyncset.done $0x0;
	(pc) =	sbr.rel @p0 .LBB2_4-.Ltmp1, $4  }
0x4b: {  	s23 =	sadd.s32 $0x2800, s24;
	[sflag:s15] =	ssyncadd.s32 $0xFFFFC000  }
0x4c: {  	[spmem:s3] =	stream.indirect.scatter.add.f32 [tilespmem:s16], [sflag:$0x2], $0x80, s23, s18, $0xb8;
	[tilespmem:$0x1CC00] =	vst v63  }
0x4d: {  	_ =	swait.ge [sflag:s17], $0x4000  }
0x4e: {  	s23 =	smov.u32 s25;
	[sflag:s17] =	ssyncset.done $0x0  }
0x4f: {  	s22 =	sshra.s32 s22, $0x2;
	[sflag:s17] =	ssyncadd.s32 $0xFFFFC000  }
0x50: {  	[tilespmem:s16], [sflag:$0x1] =	stream.indirect.gather [hbm4b:s1+s18], $0x80, s22, s18, $0xb8;
	[tilespmem:$0x1CC00] =	vst v63  }
0x51: {  	_ =	swait.ge [sflag:s15], $0x4000  }
0x52: {  	[sflag:s15] =	ssyncset.done $0x0  }
0x53: {  	s22 =	sadd.s32 $0x2800, s22;
	[sflag:s15] =	ssyncadd.s32 $0xFFFFC000  }
0x54: {  	[spmem:s3] =	stream.indirect.scatter.add.f32 [tilespmem:s16], [sflag:$0x2], $0x80, s22, s18, $0xb8;
	[tilespmem:$0x1CC00] =	vst v63  }
0x55: {  	_ =	swait.ge [sflag:s17], $0x4000  }
0x56: {  	s21 =	sadd.s32 $0x1, s21;
	[sflag:s17] =	ssyncset.done $0x0  }
0x57: {  	p0 =	sne.s32 s21, s13;
	[sflag:s17] =	ssyncadd.s32 $0xFFFFC000  }
.Ltmp2:
0x58: {  	[bflag:$0x0] =	sbarrier.arrive $0xFFFF;
	(pc) =	sbr.rel @p0 .LBB2_1-.Ltmp2, $4  }
0x59: {  	[hbm:s12], [sflag:s19] =	dma.local [spmem:s20], $0x2780  }
0x5a: {  	_ =	swait.ge [sflag:s17], $0x2780  }
0x5b: {  	[sflag:s17] =	ssyncset.done $0x0  }
0x5c: {  	[sflag:s17] =	ssyncadd.s32 $0xFFFFD880  }
0x5d: {  	_ =	sfence.sel $0x180000  }
0x5e: {  	[bflag:$0x0] =	sbarrier.arrive $0xFFFF  }
0x5f: {  	p0 =	sne.s32 s2, $0x0;
	_ =	strace $0x90000047  }
0x60: {  	s0 =	sadd.s32 @!p0 $0x100000, s0;
	[bflag:$0x2] =	sbarrier.arrive $0xFFFF  }
0x61: {  	[sflag:s0] =	ssyncadd.tile.s32 @!p0 $0x1;
	_ =	shalt  }
.Lfunc_end2:
_tile_overlayer_lowered:
.L_overlay_start_2:
0x62: {  	(tag) =	ssettag $0x2  }
0x63: {  	s0 =	rddreg [dreg:$0x0];
	s2 =	stileid.u32  }
0x64: {  	s1 =	rddreg [dreg:$0x1];
	p0 =	sne.s32 s2, $0x0  }
0x65: {  	s3 =	rddreg [dreg:$0x2];
	[bflag:$0x3] =	sbarrier.arrive $0xFFFF;
	s2 =	simm.s32 @!p0 $0x1C02  }
0x66: {  	[timem:s3], [sflag:s2] =	dma.local @!p0 [hbm:s0], s1  }
0x67: {  	s0 =	simm.s32 @!p0 $0x2  }
0x68: {  	_ =	swait.ge @!p0 [sflag:s0], s1  }
0x69: {  	s1 =	ssub.s32 @!p0 $0x0, s1;
	[sflag:s0] =	ssyncset.done @!p0 $0x0  }
0x6a: {  	[sflag:s0] =	ssyncadd.s32 @!p0 s1  }
0x6b: {  	[bflag:$0x3] =	sbarrier.arrive $0xFFFF  }
0x6c: {  	_ =	shalt  }

// kernel: kernel.9.cloned.1.call-start
scs
__scs_entry_jumppad:
0x0: {  	(pc) =	sbr.rel $0x88, $3  }
0x1: {  	(tag) =	ssettag $0x0;
	lr =	simm.s32 $0x1  }
0x2: {  	[smem:$0x3F95] =	sst lr;
	_ =	strace $0xD0000000  }
0x3: {  	_ = 	snop  }
0x4: {  	_ = 	snop  }
0x5: {  	_ = 	snop  }
0x6: {  	_ = 	snop  }
0x7: {  	_ = 	snop  }
__scs_overlays_trampoline_lowered:
0x8: {  	[smem:$0x3FA4] =	sst s0  }
0x9: {  	[smem:$0x3FA5] =	sst s1  }
0xa: {  	[smem:$0x3FA6] =	sst s2  }
0xb: {  	[smem:$0x3FA7] =	sst s3  }
0xc: {  	[smem:$0x3FA8] =	sst s4  }
0xd: {  	[smem:$0x3FA9] =	sst s5  }
0xe: {  	[smem:$0x3FAA] =	sst s6  }
0xf: {  	[smem:$0x3FAB] =	sst s7  }
0x10: {  	[smem:$0x3FAC] =	sst s8  }
0x11: {  	[smem:$0x3FAD] =	sst s9;
	s0 =	simm.s32 @!p0 $0x0  }
0x12: {  	s1 =	sld [smem:$0x3F93];
	s0 =	simm.s32 @p0 $0x1  }
0x13: {  	[smem:$0x3FAE] =	sst s0;
	s0 =	simm.s32 @!p1 $0x0  }
0x14: {  	s2 =	sld [smem:$0x3F92];
	s0 =	simm.s32 @p1 $0x1  }
0x15: {  	[smem:$0x3FAF] =	sst s0;
	s0 =	simm.s32 @!p2 $0x0  }
0x16: {  	s3 =	sld [smem:$0x3FDB];
	s0 =	simm.s32 @p2 $0x1  }
0x17: {  	s4 =	simm.s32 $0x1BF5;
	[smem:$0x3FB1] =	sst s0  }
0x18: {  	s0 =	sld [smem:$0x3F94];
	_ =	swait.ge [sflag:s4], $0x0  }
0x19: {  	s7 =	sld [smem:$0x3F95]  }
0x1a: {  	s8 =	sadd.s32 $0xFFFFE003, lr  }
0x1b: {  	s9 =	sadd.s32 $0xFFFFFEF7, lr;
	s5 =	simm.s32 $0xFFFFFFFF;
	p2 =	slt.u32 s8, $0xFFFFF086  }
0x1c: {  	p1 =	slt.u32 s9, $0xF7A;
	s5 =	simm.s32 @!p2 $0x0  }
0x1d: {  	s5 =	simm.s32 @p1 $0x1;
	p0 =	seq.s32 s7, s2  }
0x1e: {  	s7 =	smul.u32 @!p0 $0xF7A, s2;
	p2 =	seq.s32 @!p0 s5, $0x0  }
0x1f: {  	s9 =	smul.u32 $0xF7A, s1;
	s8 =	simm.s32 @!p0 $0x1BF5;
	p2 =	por !p2, p0  }
0x20: {  	[sflag:s8] =	ssyncset.s32 @!p0 $0xFFFFF086;
	s6 =	sadd.s32 @!p0 s3, s7;
	s7 =	simm.s32 @!p0 $0x108  }
0x21: {  	s3 =	sadd.s32 s3, s9;
	s6 =	sadd.s32 @!p0 $0x88, s6;
	s7 =	simm.s32 @p2 $0x1082  }
0x22: {  	[simem:s7], [sflag:s8] =	dma.local @!p0 [hbm:s6], $0xF7A  }
0x23: {  	s9 =	sor.u32 $0xD0000000, s2;
	s6 =	simm.s32 $0x108;
	_ =	swait.ge @!p0 [sflag:s8], $0x0  }
0x24: {  	s3 =	sadd.s32 $0x88, s3;
	s6 =	simm.s32 @!p1 $0x1082;
	[sflag:s4] =	ssyncset.s32 $0xFFFFF086  }
0x25: {  	[simem:s6], [sflag:s4] =	dma.local [hbm:s3], $0xF7A  }
0x26: {  	[smem:$0x3F95] =	sst s1;
	(tag) =	ssettag s2;
	_ =	strace s9  }
0x27: {  	s1 =	sld [smem:$0x3FA5]  }
0x28: {  	s2 =	sld [smem:$0x3FA6]  }
0x29: {  	s4 =	sld [smem:$0x3FA8]  }
0x2a: {  	p0 =	seq.s32 s5, $0x0;
	s5 =	sld [smem:$0x3FA9]  }
0x2b: {  	s6 =	sld [smem:$0x3FAA]  }
0x2c: {  	s7 =	sld [smem:$0x3FAB]  }
0x2d: {  	s3 =	simm.s32 $0x108;
	s8 =	sld [smem:$0x3FAC]  }
0x2e: {  	s3 =	simm.s32 @!p0 $0x1082;
	s9 =	sld [smem:$0x3FAD]  }
0x2f: {  	lr =	sadd.s32 s0, s3;
	s0 =	sld [smem:$0x3FA4]  }
0x30: {  	s3 =	sld [smem:$0x3FA7]  }
0x31: {  	[smem:$0x3FB0] =	sst s10  }
0x32: {  	s10 =	sld [smem:$0x3FAE];
	_ =	sdelay $0x3  }
0x33: {  	p0 =	seq.s32 s10, $0x1;
	s10 =	sld [smem:$0x3FB0];
	_ =	sdelay $0x3  }
0x34: {  	[smem:$0x3FB0] =	sst s10  }
0x35: {  	s10 =	sld [smem:$0x3FAF];
	_ =	sdelay $0x3  }
0x36: {  	p1 =	seq.s32 s10, $0x1;
	s10 =	sld [smem:$0x3FB0];
	_ =	sdelay $0x3  }
0x37: {  	[smem:$0x3FB0] =	sst s10  }
0x38: {  	s10 =	sld [smem:$0x3FB1]  }
0x39: {  	_ = 	snop;
	(pc) =	sbr.ind lr, $3  }
0x3a: {  	_ = 	snop  }
0x3b: {  	_ = 	snop  }
0x3c: {  	p2 =	seq.s32 s10, $0x1;
	s10 =	sld [smem:$0x3FB0]  }
0x3d: {  	_ =	shalt  }
0x3e: {  	_ =	shalt  }
0x3f: {  	_ =	shalt  }
0x40: {  	_ =	shalt  }
0x41: {  	_ =	shalt  }
0x42: {  	_ =	shalt  }
0x43: {  	_ =	shalt  }
0x44: {  	_ =	shalt  }
0x45: {  	_ =	shalt  }
0x46: {  	_ =	shalt  }
0x47: {  	_ =	shalt  }
0x48: {  	_ =	shalt  }
0x49: {  	_ =	shalt  }
0x4a: {  	_ =	shalt  }
0x4b: {  	_ =	shalt  }
0x4c: {  	_ =	shalt  }
0x4d: {  	_ =	shalt  }
0x4e: {  	_ =	shalt  }
0x4f: {  	_ =	shalt  }
0x50: {  	_ =	shalt  }
0x51: {  	_ =	shalt  }
0x52: {  	_ =	shalt  }
0x53: {  	_ =	shalt  }
0x54: {  	_ =	shalt  }
0x55: {  	_ =	shalt  }
0x56: {  	_ =	shalt  }
0x57: {  	_ =	shalt  }
0x58: {  	_ =	shalt  }
0x59: {  	_ =	shalt  }
0x5a: {  	_ =	shalt  }
0x5b: {  	_ =	shalt  }
0x5c: {  	_ =	shalt  }
0x5d: {  	_ =	shalt  }
0x5e: {  	_ =	shalt  }
0x5f: {  	_ =	shalt  }
0x60: {  	_ =	shalt  }
0x61: {  	_ =	shalt  }
0x62: {  	_ =	shalt  }
0x63: {  	_ =	shalt  }
0x64: {  	_ =	shalt  }
0x65: {  	_ =	shalt  }
0x66: {  	_ =	shalt  }
0x67: {  	_ =	shalt  }
0x68: {  	_ =	shalt  }
0x69: {  	_ =	shalt  }
0x6a: {  	_ =	shalt  }
0x6b: {  	_ =	shalt  }
0x6c: {  	_ =	shalt  }
0x6d: {  	_ =	shalt  }
0x6e: {  	_ =	shalt  }
0x6f: {  	_ =	shalt  }
0x70: {  	_ =	shalt  }
0x71: {  	_ =	shalt  }
0x72: {  	_ =	shalt  }
0x73: {  	_ =	shalt  }
0x74: {  	_ =	shalt  }
0x75: {  	_ =	shalt  }
0x76: {  	_ =	shalt  }
0x77: {  	_ =	shalt  }
0x78: {  	_ =	shalt  }
0x79: {  	_ =	shalt  }
0x7a: {  	_ =	shalt  }
0x7b: {  	_ =	shalt  }
0x7c: {  	_ =	shalt  }
0x7d: {  	_ =	shalt  }
0x7e: {  	_ =	shalt  }
0x7f: {  	_ =	shalt  }
0x80: {  	_ =	shalt  }
0x81: {  	_ =	shalt  }
0x82: {  	_ =	shalt  }
0x83: {  	_ =	shalt  }
0x84: {  	_ =	shalt  }
0x85: {  	_ =	shalt  }
0x86: {  	_ =	shalt  }
0x87: {  	_ =	shalt  }
.Lfunc_end0:
.L_simem_size_0:
called_computation.1_lowered:
.L_overlay_start_0:
0x88: {  	s2 =	sld [smem:$0x3FD9]  }
0x89: {  	s3 =	sld [smem:$0x3FFE];
	_ =	sdelay $0x1  }
0x8a: {  	s1 =	srdreg.scid  }
0x8b: {  	s0 =	sand.u32 $0x1, s1  }
0x8c: {  	s17 =	sshll.u32 s0, $0xA;
	s2 =	sadd.s32 s3, s2  }
0x8d: {  	s2 =	sadd.s32 s2, s17  }
0x8e: {  	[smem:$0x3FBC] =	sst s2  }
0x8f: {  	_ = 	snop  }
0x90: {  	s2 =	sld [smem:$0x3FD0];
	(tm) =	ssettm $0x1  }
0x91: {  	s18 =	sld [smem:$0x3FFB];
	_ =	sdelay $0x3  }
0x92: {  	_ =	strace s18  }
0x93: {  	s3 =	sld [smem:$0x3FFC];
	_ =	sdelay $0x3  }
0x94: {  	_ =	strace s3  }
0x95: {  	s3 =	sld [smem:$0x3FFD];
	_ =	sdelay $0x3  }
0x96: {  	_ =	strace s3  }
0x97: {  	_ =	strace $0x8FFFFFFF  }
0x98: {  	s19 =	sld [smem:$0x3FDB];
	_ =	sdelay $0x1  }
0x99: {  	s4 =	simm.s32 $_scs_section_size  }
0x9a: {  	s5 =	simm.s32 $_size__tile_overlayer_lowered;
	s6 =	simm.s32 $_tile_overlayer_lowered  }
0x9b: {  	s22 =	simm.s32 $0x1BFF;
	s21 =	sshll.u32 s6, $0x1;
	s3 =	sadd.s32 s4, s19  }
0x9c: {  	s7 =	simm.s32 $0x0;
	s20 =	sshll.u32 s5, $0x1;
	s5 =	sadd.s32 s21, s3  }
0x9d: {  	[timem:s7], [sflag:s22] =	dma.local [hbm:s5], s20  }
0x9e: {  	_ =	swait.ge [sflag:s22], s20  }
0x9f: {  	s4 =	ssub.s32 $0x0, s20;
	[sflag:s22] =	ssyncset.done $0x0  }
0xa0: {  	[sflag:s22] =	ssyncadd.s32 s4;
	_ =	sdelay $0x1  }
0xa1: {  	s23 =	simm.s32 $0x1B8B  }
0xa2: {  	_ =	swait.ge [sflag:s23], $0x1  }
0xa3: {  	[sflag:s23] =	ssyncset.done $0x0  }
0xa4: {  	s25 =	simm.s32 $0x1B8E;
	s24 =	sld [smem:$0x3FFE];
	[sflag:s23] =	ssyncadd.s32 $0xFFFFFFFF  }
0xa5: {  	s26 =	simm.s32 $execute0_lowered;
	[smem:$0x3FD2] =	sst s25  }
0xa6: {  	s5 =	sshll.u32 s26, $0x1;
	_ =	strace $0x80000049;
	[dreg:$0x1] =	wrdreg $0xFFFFFFFF  }
0xa7: {  	s28 =	simm.s32 $_size_execute0_lowered;
	s3 =	sadd.s32 s3, s5;
	[dreg:$0x0] =	wrdreg $0x0  }
0xa8: {  	s5 =	sshll.u32 s28, $0x1;
	[dreg:$0x2] =	wrdreg s3  }
0xa9: {  	[dreg:$0x3] =	wrdreg s5  }
0xaa: {  	[dreg:$0x4] =	wrdreg $0xC0  }
0xab: {  	_ =	task [dreg:s7], $0x5FFFF  }
0xac: {  	[dreg:$0x1] =	wrdreg $0xFFFFFFFF  }
0xad: {  	[dreg:$0x0] =	wrdreg $0x60  }
0xae: {  	[dreg:$0x2] =	wrdreg s2  }
0xaf: {  	[dreg:$0x3] =	wrdreg s24  }
0xb0: {  	[dreg:$0x4] =	wrdreg $0x90000  }
0xb1: {  	[dreg:$0x5] =	wrdreg $0x9  }
0xb2: {  	_ =	task.clear_ibuf [dreg:s7], $0x6FFFF;
	_ =	strace $0x90000049  }
0xb3: {  	s29 =	simm.s32 $0x9;
	_ =	strace $0x8000004B  }
0xb4: {  	_ =	swait.ge [sflag:s29], $0x1  }
0xb5: {  	[sflag:s29] =	ssyncadd.s32 $0xFFFFFFFF  }
0xb6: {  	_ =	strace $0x9000004B  }
0xb7: {  	_ =	sfence  }
0xb8: {  	s30 =	sld [smem:$0x0];
	_ =	sdelay $0x2  }
0xb9: {  	s31 =	sshll.u32 s1, $0xD;
	s1 =	sshrl.u32 s1, $0x2  }
0xba: {  	s3 =	sand.u32 $0x4000, s31;
	s1 =	sadd.s32 s1, s30  }
0xbb: {  	s0 =	sor.u32 s3, s0;
	s1 =	sshll.u32 s1, $0x11  }
0xbc: {  	s0 =	sor.u32 s1, s0  }
0xbd: {  	s0 =	sadd.s32 $0x8F2B, s0  }
0xbe: {  	[sflag:s0] =	ssyncadd.remote.s32 $0x1  }
0xbf: {  	_ =	sfence.sel $0xFFFF  }
0xc0: {  	[dreg:$0x0] =	wrdreg $0xFFFFFFFF;
	(pc) =	sbr.abs _section_cstart, $3  }
0xc1: {  	[dreg:$0x1] =	wrdreg $0xFFFFFFFF  }
0xc2: {  	_ =	task.clear_ibuf [dreg:s7], $0x2FFFF;
	_ =	strace $0x9FFFFFFF  }
0xc3: {  	(tm) =	ssettm $0x7FFFFFFF  }
tec
execute0_lowered:
.L_overlay_start_1:
0x0: {  	(tag) =	ssettag $0x1  }
0x1: {  	s1 =	rddreg [dreg:$0x0]  }
0x2: {  	s5 =	rddreg [dreg:$0x1]  }
0x3: {  	s3 =	rddreg [dreg:$0x2];
	s4 =	srdreg.scid  }
0x4: {  	s0 =	rddreg [dreg:$0x3];
	s2 =	stileid.u32  }
0x5: {  	s14 =	simm.s32 $0x2800;
	s15 =	simm.s32 $0x1;
	s16 =	simm.s32 $0x5000  }
0x6: {  	s17 =	simm.s32 $0x2;
	s18 =	simm.s32 $0x80;
	s21 =	simm.s32 $0x0  }
0x7: {  	s6 =	sand.u32 $0x1, s4;
	s4 =	simm.s32 $0x0;
	s9 =	smul.u32 $0x13C00, s2  }
0x8: {  	s7 =	sshll.u32 s2, $0x1;
	s30 =	smul.u32 $0x4F000, s2;
	s19 =	sshll.u32 s2, $0x6  }
0x9: {  	s8 =	smul.u32 $0x13C000, s6;
	[smem:$0x7FF] =	sst s4;
	s7 =	sor.u32 s6, s7  }
0xa: {  	s6 =	ssub.s32 $0x2, s6;
	s19 =	sor.u32 $0x1C02, s19;
	_ =	strace $0x8000004A  }
0xb: {  	s7 =	smul.u32 $0x500, s7;
	s10 =	sshrl.u32 s6, $0x1;
	s8 =	sadd.s32 s9, s8  }
0xc: {  	s31 =	sshrl.u32 s30, $0x2;
	s13 =	ssub.s32 s6, s10;
	s8 =	sshrl.u32 s8, $0x3  }
0xd: {  	s7 =	sadd.s32 s7, s5;
	s13 =	smax.u32 s13, $0x1;
	s12 =	sadd.s32 s8, s5  }
0xe: {  	s5 =	sadd.s32 $0xC400, s7;
	s6 =	sadd.s32 $0x2400, s7;
	s7 =	sadd.s32 s31, s3  }
0xf: {  	s8 =	sadd.s32 $0x4000, s7;
	s9 =	sadd.s32 $0x8000, s7;
	s10 =	sadd.s32 $0xC000, s7  }
0x10: {  	v0 =	vimm.f32 $0.0e+00;
	s11 =	sadd.s32 $0x10000, s7;
	s12 =	sadd.s32 $0x16400, s12;
	s20 =	sshrl.u32 s7, $0x3  }
.LBB2_1:
0x11: {  	[tilespmem:s4], [sflag:$0x1] =	stream.linear.gather [hbm4b:s5+s4], $0x2780, $0x38;
	[tilespmem:$0x1CC00] =	vst v63  }
0x12: {  	s22 =	simm.s32 $0x0;
	s23 =	simm.s32 $0x200  }
0x13: {  	[tilespmem:s14], [sflag:$0x1] =	stream.linear.gather [hbm4b:s6+s4], $0x2780, $0x38;
	[tilespmem:$0x1CC00] =	vst v63  }
.LBB2_2:
0x14: {  	p0 =	sne.s32 s23, $0xFE00;
	[tilespmem:s22+$0x5070] =	vst v0  }
0x15: {  	[tilespmem:s22+$0x5000] =	vst v0  }
0x16: {  	[tilespmem:s22+$0x5010] =	vst v0  }
.Ltmp0:
0x17: {  	[tilespmem:s22+$0x5020] =	vst v0;
	(pc) =	sbr.rel @p0 .LBB2_2-.Ltmp0, $4  }
0x18: {  	[tilespmem:s22+$0x5030] =	vst v0  }
0x19: {  	[tilespmem:s22+$0x5040] =	vst v0  }
0x1a: {  	[tilespmem:s22+$0x5050] =	vst v0  }
0x1b: {  	[tilespmem:s22+$0x5060] =	vst v0;
	s22 =	sshra.s32 s23, $0x2;
	s23 =	sadd.s32 $0x200, s23  }
0x1c: {  	[tilespmem:s22+$0x5070] =	vst v0  }
0x1d: {  	[tilespmem:s22+$0x5000] =	vst v0  }
0x1e: {  	[tilespmem:s22+$0x5010] =	vst v0  }
0x1f: {  	[tilespmem:s22+$0x5020] =	vst v0  }
0x20: {  	[tilespmem:s22+$0x5030] =	vst v0  }
0x21: {  	[tilespmem:s22+$0x5040] =	vst v0  }
0x22: {  	[tilespmem:s22+$0x5050] =	vst v0  }
0x23: {  	[tilespmem:s22+$0x5060] =	vst v0  }
0x24: {  	_ =	swait.ge [sflag:s15], $0x2780  }
0x25: {  	[sflag:s15] =	ssyncset.done $0x0  }
0x26: {  	[sflag:s15] =	ssyncadd.s32 $0xFFFFD880  }
0x27: {  	_ =	swait.ge [sflag:s15], $0x2780  }
0x28: {  	[sflag:s15] =	ssyncset.done $0x0  }
0x29: {  	[sflag:s15] =	ssyncadd.s32 $0xFFFFD880  }
0x2a: {  	[spmem:s7] =	stream.linear.scatter [tilespmem:s16], [sflag:$0x2], $0x4000, $0x38;
	[tilespmem:$0x1CC00] =	vst v63  }
0x2b: {  	_ =	swait.ge [sflag:s17], $0x4000  }
0x2c: {  	[sflag:s17] =	ssyncset.done $0x0  }
0x2d: {  	[sflag:s17] =	ssyncadd.s32 $0xFFFFC000  }
0x2e: {  	[spmem:s8] =	stream.linear.scatter [tilespmem:s16], [sflag:$0x2], $0x4000, $0x38;
	[tilespmem:$0x1CC00] =	vst v63  }
0x2f: {  	_ =	swait.ge [sflag:s17], $0x4000  }
0x30: {  	[sflag:s17] =	ssyncset.done $0x0  }
0x31: {  	[sflag:s17] =	ssyncadd.s32 $0xFFFFC000  }
0x32: {  	[spmem:s9] =	stream.linear.scatter [tilespmem:s16], [sflag:$0x2], $0x4000, $0x38;
	[tilespmem:$0x1CC00] =	vst v63  }
0x33: {  	_ =	swait.ge [sflag:s17], $0x4000  }
0x34: {  	[sflag:s17] =	ssyncset.done $0x0  }
0x35: {  	[sflag:s17] =	ssyncadd.s32 $0xFFFFC000  }
0x36: {  	[spmem:s10] =	stream.linear.scatter [tilespmem:s16], [sflag:$0x2], $0x4000, $0x38;
	[tilespmem:$0x1CC00] =	vst v63  }
0x37: {  	_ =	swait.ge [sflag:s17], $0x4000  }
0x38: {  	[sflag:s17] =	ssyncset.done $0x0  }
0x39: {  	[sflag:s17] =	ssyncadd.s32 $0xFFFFC000  }
0x3a: {  	[spmem:s11] =	stream.linear.scatter [tilespmem:s16], [sflag:$0x2], $0x3C00, $0x38;
	[tilespmem:$0x1CC00] =	vst v63  }
0x3b: {  	_ =	swait.ge [sflag:s17], $0x3C00  }
0x3c: {  	[sflag:s17] =	ssyncset.done $0x0  }
0x3d: {  	[sflag:s17] =	ssyncadd.s32 $0xFFFFC400  }
0x3e: {  	s30 =	simm.s32 $0x0;
	[bflag:$0x0] =	sbarrier.arrive $0xFFFF  }
0x3f: {  	[tilespmem:s16], [sflag:$0x1] =	stream.indirect.gather [hbm4b:s1+s18], $0x80, s30, s18, $0xb8;
	[tilespmem:$0x1CC00] =	vst v63  }
0x40: {  	_ =	swait.ge [sflag:s15], $0x4000  }
0x41: {  	[sflag:s15] =	ssyncset.done $0x0  }
0x42: {  	s31 =	simm.s32 $0x2800;
	[sflag:s15] =	ssyncadd.s32 $0xFFFFC000  }
0x43: {  	[spmem:s3] =	stream.indirect.scatter.add.f32 [tilespmem:s16], [sflag:$0x2], $0x80, s31, s18, $0xb8;
	[tilespmem:$0x1CC00] =	vst v63  }
0x44: {  	_ =	swait.ge [sflag:s17], $0x4000  }
0x45: {  	s22 =	simm.s32 $0x200;
	s23 =	simm.s32 $0x400;
	[sflag:s17] =	ssyncset.done $0x0  }
.LBB2_4:
0x46: {  	s24 =	sshra.s32 s22, $0x2  }
0x47: {  	[sflag:s17] =	ssyncadd.s32 $0xFFFFC000;
	s22 =	smov.u32 s23;
	s25 =	sadd.s32 $0x200, s23  }
0x48: {  	[tilespmem:s16], [sflag:$0x1] =	stream.indirect.gather [hbm4b:s1+s18], $0x80, s24, s18, $0xb8;
	[tilespmem:$0x1CC00] =	vst v63  }
0x49: {  	p0 =	sne.s32 s23, $0x9C00;
	_ =	swait.ge [sflag:s15], $0x4000  }
.Ltmp1:
0x4a: {  	[sflag:s15] =	ssyncset.done $0x0;
	(pc) =	sbr.rel @p0 .LBB2_4-.Ltmp1, $4  }
0x4b: {  	s23 =	sadd.s32 $0x2800, s24;
	[sflag:s15] =	ssyncadd.s32 $0xFFFFC000  }
0x4c: {  	[spmem:s3] =	stream.indirect.scatter.add.f32 [tilespmem:s16], [sflag:$0x2], $0x80, s23, s18, $0xb8;
	[tilespmem:$0x1CC00] =	vst v63  }
0x4d: {  	_ =	swait.ge [sflag:s17], $0x4000  }
0x4e: {  	s23 =	smov.u32 s25;
	[sflag:s17] =	ssyncset.done $0x0  }
0x4f: {  	s22 =	sshra.s32 s22, $0x2;
	[sflag:s17] =	ssyncadd.s32 $0xFFFFC000  }
0x50: {  	[tilespmem:s16], [sflag:$0x1] =	stream.indirect.gather [hbm4b:s1+s18], $0x80, s22, s18, $0xb8;
	[tilespmem:$0x1CC00] =	vst v63  }
0x51: {  	_ =	swait.ge [sflag:s15], $0x4000  }
0x52: {  	[sflag:s15] =	ssyncset.done $0x0  }
0x53: {  	s22 =	sadd.s32 $0x2800, s22;
	[sflag:s15] =	ssyncadd.s32 $0xFFFFC000  }
0x54: {  	[spmem:s3] =	stream.indirect.scatter.add.f32 [tilespmem:s16], [sflag:$0x2], $0x80, s22, s18, $0xb8;
	[tilespmem:$0x1CC00] =	vst v63  }
0x55: {  	_ =	swait.ge [sflag:s17], $0x4000  }
0x56: {  	s21 =	sadd.s32 $0x1, s21;
	[sflag:s17] =	ssyncset.done $0x0  }
0x57: {  	p0 =	sne.s32 s21, s13;
	[sflag:s17] =	ssyncadd.s32 $0xFFFFC000  }
.Ltmp2:
0x58: {  	[bflag:$0x0] =	sbarrier.arrive $0xFFFF;
	(pc) =	sbr.rel @p0 .LBB2_1-.Ltmp2, $4  }
0x59: {  	[hbm:s12], [sflag:s19] =	dma.local [spmem:s20], $0x2780  }
0x5a: {  	_ =	swait.ge [sflag:s17], $0x2780  }
0x5b: {  	[sflag:s17] =	ssyncset.done $0x0  }
0x5c: {  	[sflag:s17] =	ssyncadd.s32 $0xFFFFD880  }
0x5d: {  	_ =	sfence.sel $0x180000  }
0x5e: {  	[bflag:$0x0] =	sbarrier.arrive $0xFFFF  }
0x5f: {  	p0 =	sne.s32 s2, $0x0;
	_ =	strace $0x9000004A  }
0x60: {  	s0 =	sadd.s32 @!p0 $0x100000, s0;
	[bflag:$0x2] =	sbarrier.arrive $0xFFFF  }
0x61: {  	[sflag:s0] =	ssyncadd.tile.s32 @!p0 $0x1;
	_ =	shalt  }
.Lfunc_end2:
_tile_overlayer_lowered:
.L_overlay_start_2:
0x62: {  	(tag) =	ssettag $0x2  }
0x63: {  	s0 =	rddreg [dreg:$0x0];
	s2 =	stileid.u32  }
0x64: {  	s1 =	rddreg [dreg:$0x1];
	p0 =	sne.s32 s2, $0x0  }
0x65: {  	s3 =	rddreg [dreg:$0x2];
	[bflag:$0x3] =	sbarrier.arrive $0xFFFF;
	s2 =	simm.s32 @!p0 $0x1C02  }
0x66: {  	[timem:s3], [sflag:s2] =	dma.local @!p0 [hbm:s0], s1  }
0x67: {  	s0 =	simm.s32 @!p0 $0x2  }
0x68: {  	_ =	swait.ge @!p0 [sflag:s0], s1  }
0x69: {  	s1 =	ssub.s32 @!p0 $0x0, s1;
	[sflag:s0] =	ssyncset.done @!p0 $0x0  }
0x6a: {  	[sflag:s0] =	ssyncadd.s32 @!p0 s1  }
0x6b: {  	[bflag:$0x3] =	sbarrier.arrive $0xFFFF  }
0x6c: {  	_ =	shalt  }

</sc_bundles>
